<compile_context>
chip_gen: v7x
topology: tpu7x:2x2x1
jax: 0.10.2.dev20260603
libtpu: 0.0.44.dev20260713+nightly
codegen_flags: <defaults>
</compile_context>

<pallas_src>
import functools

import jax
import jax.numpy as jnp
from jax import lax
from jax.experimental import pallas as pl
from jax.experimental.pallas import tpu as pltpu
from jax.experimental.pallas import tpu_sc as plsc

NUM_CORES = 2
NUM_SUBCORES = 16
NUM_WORKERS = NUM_CORES * NUM_SUBCORES
CHUNK = 1280


@functools.partial(jax.jit, static_argnums=(2, 3))
def _sc_embed(flat_ids, weight, B, D):
    b_per_w = B // NUM_WORKERS
    n_chunks = b_per_w // CHUNK
    mesh = plsc.VectorSubcoreMesh(
        core_axis_name="c", subcore_axis_name="s",
        num_cores=NUM_CORES, num_subcores=NUM_SUBCORES)

    @functools.partial(
        pl.kernel,
        out_type=jax.ShapeDtypeStruct((B, D), jnp.float32),
        mesh=mesh,
        scratch_types=[
            pltpu.VMEM((CHUNK,), jnp.int32),
            pltpu.VMEM((CHUNK,), jnp.int32),
            pltpu.VMEM((CHUNK, D), jnp.float32),
            pltpu.VMEM((CHUNK, D), jnp.float32),
            pltpu.SemaphoreType.DMA,
            pltpu.SemaphoreType.DMA,
            pltpu.SemaphoreType.DMA,
            pltpu.SemaphoreType.DMA,
            pltpu.SemaphoreType.DMA,
            pltpu.SemaphoreType.DMA,
        ],
        compiler_params=pltpu.CompilerParams(use_tc_tiling_on_sc=False),
    )
    def k(idx_hbm, table_hbm, out_hbm, idx0, idx1, rows0, rows1,
          ls0, ls1, gs0, gs1, ws0, ws1):
        wid = lax.axis_index("s") * NUM_CORES + lax.axis_index("c")
        base = wid * b_per_w
        idx = [idx0, idx1]
        rows = [rows0, rows1]
        lsem = [ls0, ls1]
        gsem = [gs0, gs1]
        wsem = [ws0, ws1]

        def load(i):
            b = i % 2
            return pltpu.async_copy(
                idx_hbm.at[pl.ds(base + i * CHUNK, CHUNK)], idx[b], lsem[b])

        def gather(i):
            b = i % 2
            return pltpu.async_copy(table_hbm.at[idx[b]], rows[b], gsem[b])

        def writeback(i):
            b = i % 2
            return pltpu.async_copy(
                rows[b], out_hbm.at[pl.ds(base + i * CHUNK, CHUNK)], wsem[b])

        loads = [None] * n_chunks
        gathers = [None] * n_chunks
        writes = [None] * n_chunks
        loads[0] = load(0)
        if n_chunks > 1:
            loads[1] = load(1)
        for i in range(n_chunks):
            loads[i].wait()
            if i >= 2:
                writes[i - 2].wait()
            gathers[i] = gather(i)
            if i >= 1:
                gathers[i - 1].wait()
                writes[i - 1] = writeback(i - 1)
                if i + 1 < n_chunks:
                    loads[i + 1] = load(i + 1)
        gathers[n_chunks - 1].wait()
        writes[n_chunks - 1] = writeback(n_chunks - 1)
        if n_chunks > 1:
            writes[n_chunks - 2].wait()
        writes[n_chunks - 1].wait()

    return k(flat_ids, weight)


def kernel(token_ids, weight):
    N, S = token_ids.shape
    B = N * S
    D = weight.shape[1]
    flat = token_ids.reshape(B).astype(jnp.int32)
    out = _sc_embed(flat, weight, B, D)
    return out.reshape(N, S, D)

# --- scband reference (transcript-rebuilt; emitter-appended) ---
"""Pipeline reference for scband-embedding-37134287241764 (READ-ONLY COPY).

The authoritative reference and input builder live on the scoring server;
editing this copy changes nothing except your own understanding.
"""

import jax, jax.numpy as jnp
import numpy as np

NUM_EMBEDDINGS = 1000000
EMBEDDING_DIM = 32

def setup_inputs(seed: int = 0) -> dict:
    key = jax.random.key(seed)
    k1, k2 = jax.random.split(key)
    token_ids = jax.random.randint(k1, (16384, 20), 0, NUM_EMBEDDINGS, dtype=jnp.int64 if jax.config.jax_enable_x64 else jnp.int32)
    # truncated normal init, mean=0, std=1, a=-3, b=3
    weight = jax.random.truncated_normal(k2, -3.0, 3.0, (NUM_EMBEDDINGS, EMBEDDING_DIM), dtype=jnp.float32)
    return {"token_ids": token_ids, "weight": weight}

def reference(token_ids, weight):
    # Embedding lookup: weight[token_ids]
    return jnp.take(weight, token_ids, axis=0)

if __name__ == "__main__":
    import jax
    _d = setup_inputs()
    print(jax.jit(kernel)(*tuple(_d.values())))

</pallas_src>

<mosaic_0001>
#map = affine_map<(d0, d1) -> (0)>
#map1 = affine_map<(d0, d1) -> (0, 0)>
module attributes {stable_mosaic.version = 14 : i64} {
  func.func @k(%arg0: i32, %arg1: i32, %arg2: memref<327680xi32, #tpu.memory_space<hbm>>, %arg3: memref<1000000x32xf32, #tpu.memory_space<hbm>>, %arg4: memref<327680x32xf32, #tpu.memory_space<hbm>>, %arg5: memref<1280xi32, #tpu.memory_space<vmem>>, %arg6: memref<1280xi32, #tpu.memory_space<vmem>>, %arg7: memref<1280x32xf32, #tpu.memory_space<vmem>>, %arg8: memref<1280x32xf32, #tpu.memory_space<vmem>>, %arg9: memref<!tpu.dma_semaphore, #tpu.memory_space<semaphore_mem>>, %arg10: memref<!tpu.dma_semaphore, #tpu.memory_space<semaphore_mem>>, %arg11: memref<!tpu.dma_semaphore, #tpu.memory_space<semaphore_mem>>, %arg12: memref<!tpu.dma_semaphore, #tpu.memory_space<semaphore_mem>>, %arg13: memref<!tpu.dma_semaphore, #tpu.memory_space<semaphore_mem>>, %arg14: memref<!tpu.dma_semaphore, #tpu.memory_space<semaphore_mem>>) attributes {dimension_semantics = [#tpu.dimension_semantics<core_parallel>, #tpu.dimension_semantics<subcore_parallel>], iteration_bounds = array<i64: 2, 16>, scalar_prefetch = 0 : i64, scratch_operands = 10 : i64, tpu.core_type = #tpu.core_type<sc_vector_subcore>, window_params = [{transform_indices = #map}, {transform_indices = #map1}, {transform_indices = #map1}]} {
    %mul3A = arith.constant 2 : i32
    %mul3A_0 = arith.muli %arg1, %mul3A : i32
    %add3A = arith.addi %mul3A_0, %arg0 : i32
    %mul3A_1 = arith.constant 10240 : i32
    %mul3A_2 = arith.muli %add3A, %mul3A_1 : i32
    %add3A_3 = arith.constant 0 : i32
    %add3A_4 = arith.addi %mul3A_2, %add3A_3 : i32
    %dma_start3A = tpu.memref_slice %arg2[%add3A_4] : memref<327680xi32, #tpu.memory_space<hbm>> -> memref<1280xi32, #tpu.memory_space<hbm>>
    %dma_start3A_5 = tpu.memref_slice %arg2[%add3A_4] : memref<327680xi32, #tpu.memory_space<hbm>> -> memref<1280xi32, #tpu.memory_space<hbm>>
    tpu.enqueue_dma source(%dma_start3A_5 : memref<1280xi32, #tpu.memory_space<hbm>>) target(%arg5 : memref<1280xi32, #tpu.memory_space<vmem>>) target_semaphore(%arg9 : memref<!tpu.dma_semaphore, #tpu.memory_space<semaphore_mem>>)
    %add3A_6 = arith.constant 1280 : i32
    %add3A_7 = arith.addi %mul3A_2, %add3A_6 : i32
    %dma_start3A_8 = tpu.memref_slice %arg2[%add3A_7] : memref<327680xi32, #tpu.memory_space<hbm>> -> memref<1280xi32, #tpu.memory_space<hbm>>
    %dma_start3A_9 = tpu.memref_slice %arg2[%add3A_7] : memref<327680xi32, #tpu.memory_space<hbm>> -> memref<1280xi32, #tpu.memory_space<hbm>>
    tpu.enqueue_dma source(%dma_start3A_9 : memref<1280xi32, #tpu.memory_space<hbm>>) target(%arg6 : memref<1280xi32, #tpu.memory_space<vmem>>) target_semaphore(%arg10 : memref<!tpu.dma_semaphore, #tpu.memory_space<semaphore_mem>>)
    %dma_wait3A = tpu.memref_slice %arg2[%add3A_4] : memref<327680xi32, #tpu.memory_space<hbm>> -> memref<1280xi32, #tpu.memory_space<hbm>>
    %dma_wait3A_10 = tpu.memref_slice %arg2[%add3A_4] : memref<327680xi32, #tpu.memory_space<hbm>> -> memref<1280xi32, #tpu.memory_space<hbm>>
    tpu.wait_dma2 semaphore(%arg9 : memref<!tpu.dma_semaphore, #tpu.memory_space<semaphore_mem>>) src(%dma_wait3A_10 : memref<1280xi32, #tpu.memory_space<hbm>>) dst(%arg5 : memref<1280xi32, #tpu.memory_space<vmem>>)
    %dma_start3A_11 = arith.constant 0 : i32
    %dma_start3A_12 = arith.constant 0 : i32
    %dma_start3A_13 = tpu.memref_slice %arg3[%dma_start3A_11, %dma_start3A_12] : memref<1000000x32xf32, #tpu.memory_space<hbm>> -> memref<1000000x32xf32, #tpu.memory_space<hbm>>
    tpu.enqueue_indirect_dma source(%dma_start3A_13 : memref<1000000x32xf32, #tpu.memory_space<hbm>>) target(%arg7 : memref<1280x32xf32, #tpu.memory_space<vmem>>) offsets(%arg5 : memref<1280xi32, #tpu.memory_space<vmem>>) semaphore(%arg11 : memref<!tpu.dma_semaphore, #tpu.memory_space<semaphore_mem>>)
    %dma_wait3A_14 = tpu.memref_slice %arg2[%add3A_7] : memref<327680xi32, #tpu.memory_space<hbm>> -> memref<1280xi32, #tpu.memory_space<hbm>>
    %dma_wait3A_15 = tpu.memref_slice %arg2[%add3A_7] : memref<327680xi32, #tpu.memory_space<hbm>> -> memref<1280xi32, #tpu.memory_space<hbm>>
    tpu.wait_dma2 semaphore(%arg10 : memref<!tpu.dma_semaphore, #tpu.memory_space<semaphore_mem>>) src(%dma_wait3A_15 : memref<1280xi32, #tpu.memory_space<hbm>>) dst(%arg6 : memref<1280xi32, #tpu.memory_space<vmem>>)
    %dma_start3A_16 = arith.constant 0 : i32
    %dma_start3A_17 = arith.constant 0 : i32
    %dma_start3A_18 = tpu.memref_slice %arg3[%dma_start3A_16, %dma_start3A_17] : memref<1000000x32xf32, #tpu.memory_space<hbm>> -> memref<1000000x32xf32, #tpu.memory_space<hbm>>
    tpu.enqueue_indirect_dma source(%dma_start3A_18 : memref<1000000x32xf32, #tpu.memory_space<hbm>>) target(%arg8 : memref<1280x32xf32, #tpu.memory_space<vmem>>) offsets(%arg6 : memref<1280xi32, #tpu.memory_space<vmem>>) semaphore(%arg12 : memref<!tpu.dma_semaphore, #tpu.memory_space<semaphore_mem>>)
    %dma_wait3A_19 = arith.constant 0 : i32
    %dma_wait3A_20 = arith.constant 0 : i32
    %dma_wait3A_21 = tpu.memref_slice %arg3[%dma_wait3A_19, %dma_wait3A_20] : memref<1000000x32xf32, #tpu.memory_space<hbm>> -> memref<1000000x32xf32, #tpu.memory_space<hbm>>
    tpu.wait_indirect_dma semaphore(%arg11 : memref<!tpu.dma_semaphore, #tpu.memory_space<semaphore_mem>>) src(%dma_wait3A_21 : memref<1000000x32xf32, #tpu.memory_space<hbm>>) dst(%arg7 : memref<1280x32xf32, #tpu.memory_space<vmem>>)
    %add3A_22 = arith.constant 0 : i32
    %add3A_23 = arith.addi %mul3A_2, %add3A_22 : i32
    %dma_start3A_24 = arith.constant 0 : i32
    %dma_start3A_25 = tpu.memref_slice %arg4[%add3A_23, %dma_start3A_24] : memref<327680x32xf32, #tpu.memory_space<hbm>> -> memref<1280x32xf32, #tpu.memory_space<hbm>>
    %dma_start3A_26 = arith.constant 0 : i32
    %dma_start3A_27 = tpu.memref_slice %arg4[%add3A_23, %dma_start3A_26] : memref<327680x32xf32, #tpu.memory_space<hbm>> -> memref<1280x32xf32, #tpu.memory_space<hbm>>
    tpu.enqueue_dma source(%arg7 : memref<1280x32xf32, #tpu.memory_space<vmem>>) target(%dma_start3A_27 : memref<1280x32xf32, #tpu.memory_space<hbm>>) target_semaphore(%arg13 : memref<!tpu.dma_semaphore, #tpu.memory_space<semaphore_mem>>)
    %add3A_28 = arith.constant 2560 : i32
    %add3A_29 = arith.addi %mul3A_2, %add3A_28 : i32
    %dma_start3A_30 = tpu.memref_slice %arg2[%add3A_29] : memref<327680xi32, #tpu.memory_space<hbm>> -> memref<1280xi32, #tpu.memory_space<hbm>>
    %dma_start3A_31 = tpu.memref_slice %arg2[%add3A_29] : memref<327680xi32, #tpu.memory_space<hbm>> -> memref<1280xi32, #tpu.memory_space<hbm>>
    tpu.enqueue_dma source(%dma_start3A_31 : memref<1280xi32, #tpu.memory_space<hbm>>) target(%arg5 : memref<1280xi32, #tpu.memory_space<vmem>>) target_semaphore(%arg9 : memref<!tpu.dma_semaphore, #tpu.memory_space<semaphore_mem>>)
    %dma_wait3A_32 = tpu.memref_slice %arg2[%add3A_29] : memref<327680xi32, #tpu.memory_space<hbm>> -> memref<1280xi32, #tpu.memory_space<hbm>>
    %dma_wait3A_33 = tpu.memref_slice %arg2[%add3A_29] : memref<327680xi32, #tpu.memory_space<hbm>> -> memref<1280xi32, #tpu.memory_space<hbm>>
    tpu.wait_dma2 semaphore(%arg9 : memref<!tpu.dma_semaphore, #tpu.memory_space<semaphore_mem>>) src(%dma_wait3A_33 : memref<1280xi32, #tpu.memory_space<hbm>>) dst(%arg5 : memref<1280xi32, #tpu.memory_space<vmem>>)
    %dma_wait3A_34 = arith.constant 0 : i32
    %dma_wait3A_35 = tpu.memref_slice %arg4[%add3A_23, %dma_wait3A_34] : memref<327680x32xf32, #tpu.memory_space<hbm>> -> memref<1280x32xf32, #tpu.memory_space<hbm>>
    %dma_wait3A_36 = arith.constant 0 : i32
    %dma_wait3A_37 = tpu.memref_slice %arg4[%add3A_23, %dma_wait3A_36] : memref<327680x32xf32, #tpu.memory_space<hbm>> -> memref<1280x32xf32, #tpu.memory_space<hbm>>
    tpu.wait_dma2 semaphore(%arg13 : memref<!tpu.dma_semaphore, #tpu.memory_space<semaphore_mem>>) src(%arg7 : memref<1280x32xf32, #tpu.memory_space<vmem>>) dst(%dma_wait3A_37 : memref<1280x32xf32, #tpu.memory_space<hbm>>)
    %dma_start3A_38 = arith.constant 0 : i32
    %dma_start3A_39 = arith.constant 0 : i32
    %dma_start3A_40 = tpu.memref_slice %arg3[%dma_start3A_38, %dma_start3A_39] : memref<1000000x32xf32, #tpu.memory_space<hbm>> -> memref<1000000x32xf32, #tpu.memory_space<hbm>>
    tpu.enqueue_indirect_dma source(%dma_start3A_40 : memref<1000000x32xf32, #tpu.memory_space<hbm>>) target(%arg7 : memref<1280x32xf32, #tpu.memory_space<vmem>>) offsets(%arg5 : memref<1280xi32, #tpu.memory_space<vmem>>) semaphore(%arg11 : memref<!tpu.dma_semaphore, #tpu.memory_space<semaphore_mem>>)
    %dma_wait3A_41 = arith.constant 0 : i32
    %dma_wait3A_42 = arith.constant 0 : i32
    %dma_wait3A_43 = tpu.memref_slice %arg3[%dma_wait3A_41, %dma_wait3A_42] : memref<1000000x32xf32, #tpu.memory_space<hbm>> -> memref<1000000x32xf32, #tpu.memory_space<hbm>>
    tpu.wait_indirect_dma semaphore(%arg12 : memref<!tpu.dma_semaphore, #tpu.memory_space<semaphore_mem>>) src(%dma_wait3A_43 : memref<1000000x32xf32, #tpu.memory_space<hbm>>) dst(%arg8 : memref<1280x32xf32, #tpu.memory_space<vmem>>)
    %add3A_44 = arith.constant 1280 : i32
    %add3A_45 = arith.addi %mul3A_2, %add3A_44 : i32
    %dma_start3A_46 = arith.constant 0 : i32
    %dma_start3A_47 = tpu.memref_slice %arg4[%add3A_45, %dma_start3A_46] : memref<327680x32xf32, #tpu.memory_space<hbm>> -> memref<1280x32xf32, #tpu.memory_space<hbm>>
    %dma_start3A_48 = arith.constant 0 : i32
    %dma_start3A_49 = tpu.memref_slice %arg4[%add3A_45, %dma_start3A_48] : memref<327680x32xf32, #tpu.memory_space<hbm>> -> memref<1280x32xf32, #tpu.memory_space<hbm>>
    tpu.enqueue_dma source(%arg8 : memref<1280x32xf32, #tpu.memory_space<vmem>>) target(%dma_start3A_49 : memref<1280x32xf32, #tpu.memory_space<hbm>>) target_semaphore(%arg14 : memref<!tpu.dma_semaphore, #tpu.memory_space<semaphore_mem>>)
    %add3A_50 = arith.constant 3840 : i32
    %add3A_51 = arith.addi %mul3A_2, %add3A_50 : i32
    %dma_start3A_52 = tpu.memref_slice %arg2[%add3A_51] : memref<327680xi32, #tpu.memory_space<hbm>> -> memref<1280xi32, #tpu.memory_space<hbm>>
    %dma_start3A_53 = tpu.memref_slice %arg2[%add3A_51] : memref<327680xi32, #tpu.memory_space<hbm>> -> memref<1280xi32, #tpu.memory_space<hbm>>
    tpu.enqueue_dma source(%dma_start3A_53 : memref<1280xi32, #tpu.memory_space<hbm>>) target(%arg6 : memref<1280xi32, #tpu.memory_space<vmem>>) target_semaphore(%arg10 : memref<!tpu.dma_semaphore, #tpu.memory_space<semaphore_mem>>)
    %dma_wait3A_54 = tpu.memref_slice %arg2[%add3A_51] : memref<327680xi32, #tpu.memory_space<hbm>> -> memref<1280xi32, #tpu.memory_space<hbm>>
    %dma_wait3A_55 = tpu.memref_slice %arg2[%add3A_51] : memref<327680xi32, #tpu.memory_space<hbm>> -> memref<1280xi32, #tpu.memory_space<hbm>>
    tpu.wait_dma2 semaphore(%arg10 : memref<!tpu.dma_semaphore, #tpu.memory_space<semaphore_mem>>) src(%dma_wait3A_55 : memref<1280xi32, #tpu.memory_space<hbm>>) dst(%arg6 : memref<1280xi32, #tpu.memory_space<vmem>>)
    %dma_wait3A_56 = arith.constant 0 : i32
    %dma_wait3A_57 = tpu.memref_slice %arg4[%add3A_45, %dma_wait3A_56] : memref<327680x32xf32, #tpu.memory_space<hbm>> -> memref<1280x32xf32, #tpu.memory_space<hbm>>
    %dma_wait3A_58 = arith.constant 0 : i32
    %dma_wait3A_59 = tpu.memref_slice %arg4[%add3A_45, %dma_wait3A_58] : memref<327680x32xf32, #tpu.memory_space<hbm>> -> memref<1280x32xf32, #tpu.memory_space<hbm>>
    tpu.wait_dma2 semaphore(%arg14 : memref<!tpu.dma_semaphore, #tpu.memory_space<semaphore_mem>>) src(%arg8 : memref<1280x32xf32, #tpu.memory_space<vmem>>) dst(%dma_wait3A_59 : memref<1280x32xf32, #tpu.memory_space<hbm>>)
    %dma_start3A_60 = arith.constant 0 : i32
    %dma_start3A_61 = arith.constant 0 : i32
    %dma_start3A_62 = tpu.memref_slice %arg3[%dma_start3A_60, %dma_start3A_61] : memref<1000000x32xf32, #tpu.memory_space<hbm>> -> memref<1000000x32xf32, #tpu.memory_space<hbm>>
    tpu.enqueue_indirect_dma source(%dma_start3A_62 : memref<1000000x32xf32, #tpu.memory_space<hbm>>) target(%arg8 : memref<1280x32xf32, #tpu.memory_space<vmem>>) offsets(%arg6 : memref<1280xi32, #tpu.memory_space<vmem>>) semaphore(%arg12 : memref<!tpu.dma_semaphore, #tpu.memory_space<semaphore_mem>>)
    %dma_wait3A_63 = arith.constant 0 : i32
    %dma_wait3A_64 = arith.constant 0 : i32
    %dma_wait3A_65 = tpu.memref_slice %arg3[%dma_wait3A_63, %dma_wait3A_64] : memref<1000000x32xf32, #tpu.memory_space<hbm>> -> memref<1000000x32xf32, #tpu.memory_space<hbm>>
    tpu.wait_indirect_dma semaphore(%arg11 : memref<!tpu.dma_semaphore, #tpu.memory_space<semaphore_mem>>) src(%dma_wait3A_65 : memref<1000000x32xf32, #tpu.memory_space<hbm>>) dst(%arg7 : memref<1280x32xf32, #tpu.memory_space<vmem>>)
    %add3A_66 = arith.constant 2560 : i32
    %add3A_67 = arith.addi %mul3A_2, %add3A_66 : i32
    %dma_start3A_68 = arith.constant 0 : i32
    %dma_start3A_69 = tpu.memref_slice %arg4[%add3A_67, %dma_start3A_68] : memref<327680x32xf32, #tpu.memory_space<hbm>> -> memref<1280x32xf32, #tpu.memory_space<hbm>>
    %dma_start3A_70 = arith.constant 0 : i32
    %dma_start3A_71 = tpu.memref_slice %arg4[%add3A_67, %dma_start3A_70] : memref<327680x32xf32, #tpu.memory_space<hbm>> -> memref<1280x32xf32, #tpu.memory_space<hbm>>
    tpu.enqueue_dma source(%arg7 : memref<1280x32xf32, #tpu.memory_space<vmem>>) target(%dma_start3A_71 : memref<1280x32xf32, #tpu.memory_space<hbm>>) target_semaphore(%arg13 : memref<!tpu.dma_semaphore, #tpu.memory_space<semaphore_mem>>)
    %add3A_72 = arith.constant 5120 : i32
    %add3A_73 = arith.addi %mul3A_2, %add3A_72 : i32
    %dma_start3A_74 = tpu.memref_slice %arg2[%add3A_73] : memref<327680xi32, #tpu.memory_space<hbm>> -> memref<1280xi32, #tpu.memory_space<hbm>>
    %dma_start3A_75 = tpu.memref_slice %arg2[%add3A_73] : memref<327680xi32, #tpu.memory_space<hbm>> -> memref<1280xi32, #tpu.memory_space<hbm>>
    tpu.enqueue_dma source(%dma_start3A_75 : memref<1280xi32, #tpu.memory_space<hbm>>) target(%arg5 : memref<1280xi32, #tpu.memory_space<vmem>>) target_semaphore(%arg9 : memref<!tpu.dma_semaphore, #tpu.memory_space<semaphore_mem>>)
    %dma_wait3A_76 = tpu.memref_slice %arg2[%add3A_73] : memref<327680xi32, #tpu.memory_space<hbm>> -> memref<1280xi32, #tpu.memory_space<hbm>>
    %dma_wait3A_77 = tpu.memref_slice %arg2[%add3A_73] : memref<327680xi32, #tpu.memory_space<hbm>> -> memref<1280xi32, #tpu.memory_space<hbm>>
    tpu.wait_dma2 semaphore(%arg9 : memref<!tpu.dma_semaphore, #tpu.memory_space<semaphore_mem>>) src(%dma_wait3A_77 : memref<1280xi32, #tpu.memory_space<hbm>>) dst(%arg5 : memref<1280xi32, #tpu.memory_space<vmem>>)
    %dma_wait3A_78 = arith.constant 0 : i32
    %dma_wait3A_79 = tpu.memref_slice %arg4[%add3A_67, %dma_wait3A_78] : memref<327680x32xf32, #tpu.memory_space<hbm>> -> memref<1280x32xf32, #tpu.memory_space<hbm>>
    %dma_wait3A_80 = arith.constant 0 : i32
    %dma_wait3A_81 = tpu.memref_slice %arg4[%add3A_67, %dma_wait3A_80] : memref<327680x32xf32, #tpu.memory_space<hbm>> -> memref<1280x32xf32, #tpu.memory_space<hbm>>
    tpu.wait_dma2 semaphore(%arg13 : memref<!tpu.dma_semaphore, #tpu.memory_space<semaphore_mem>>) src(%arg7 : memref<1280x32xf32, #tpu.memory_space<vmem>>) dst(%dma_wait3A_81 : memref<1280x32xf32, #tpu.memory_space<hbm>>)
    %dma_start3A_82 = arith.constant 0 : i32
    %dma_start3A_83 = arith.constant 0 : i32
    %dma_start3A_84 = tpu.memref_slice %arg3[%dma_start3A_82, %dma_start3A_83] : memref<1000000x32xf32, #tpu.memory_space<hbm>> -> memref<1000000x32xf32, #tpu.memory_space<hbm>>
    tpu.enqueue_indirect_dma source(%dma_start3A_84 : memref<1000000x32xf32, #tpu.memory_space<hbm>>) target(%arg7 : memref<1280x32xf32, #tpu.memory_space<vmem>>) offsets(%arg5 : memref<1280xi32, #tpu.memory_space<vmem>>) semaphore(%arg11 : memref<!tpu.dma_semaphore, #tpu.memory_space<semaphore_mem>>)
    %dma_wait3A_85 = arith.constant 0 : i32
    %dma_wait3A_86 = arith.constant 0 : i32
    %dma_wait3A_87 = tpu.memref_slice %arg3[%dma_wait3A_85, %dma_wait3A_86] : memref<1000000x32xf32, #tpu.memory_space<hbm>> -> memref<1000000x32xf32, #tpu.memory_space<hbm>>
    tpu.wait_indirect_dma semaphore(%arg12 : memref<!tpu.dma_semaphore, #tpu.memory_space<semaphore_mem>>) src(%dma_wait3A_87 : memref<1000000x32xf32, #tpu.memory_space<hbm>>) dst(%arg8 : memref<1280x32xf32, #tpu.memory_space<vmem>>)
    %add3A_88 = arith.constant 3840 : i32
    %add3A_89 = arith.addi %mul3A_2, %add3A_88 : i32
    %dma_start3A_90 = arith.constant 0 : i32
    %dma_start3A_91 = tpu.memref_slice %arg4[%add3A_89, %dma_start3A_90] : memref<327680x32xf32, #tpu.memory_space<hbm>> -> memref<1280x32xf32, #tpu.memory_space<hbm>>
    %dma_start3A_92 = arith.constant 0 : i32
    %dma_start3A_93 = tpu.memref_slice %arg4[%add3A_89, %dma_start3A_92] : memref<327680x32xf32, #tpu.memory_space<hbm>> -> memref<1280x32xf32, #tpu.memory_space<hbm>>
    tpu.enqueue_dma source(%arg8 : memref<1280x32xf32, #tpu.memory_space<vmem>>) target(%dma_start3A_93 : memref<1280x32xf32, #tpu.memory_space<hbm>>) target_semaphore(%arg14 : memref<!tpu.dma_semaphore, #tpu.memory_space<semaphore_mem>>)
    %add3A_94 = arith.constant 6400 : i32
    %add3A_95 = arith.addi %mul3A_2, %add3A_94 : i32
    %dma_start3A_96 = tpu.memref_slice %arg2[%add3A_95] : memref<327680xi32, #tpu.memory_space<hbm>> -> memref<1280xi32, #tpu.memory_space<hbm>>
    %dma_start3A_97 = tpu.memref_slice %arg2[%add3A_95] : memref<327680xi32, #tpu.memory_space<hbm>> -> memref<1280xi32, #tpu.memory_space<hbm>>
    tpu.enqueue_dma source(%dma_start3A_97 : memref<1280xi32, #tpu.memory_space<hbm>>) target(%arg6 : memref<1280xi32, #tpu.memory_space<vmem>>) target_semaphore(%arg10 : memref<!tpu.dma_semaphore, #tpu.memory_space<semaphore_mem>>)
    %dma_wait3A_98 = tpu.memref_slice %arg2[%add3A_95] : memref<327680xi32, #tpu.memory_space<hbm>> -> memref<1280xi32, #tpu.memory_space<hbm>>
    %dma_wait3A_99 = tpu.memref_slice %arg2[%add3A_95] : memref<327680xi32, #tpu.memory_space<hbm>> -> memref<1280xi32, #tpu.memory_space<hbm>>
    tpu.wait_dma2 semaphore(%arg10 : memref<!tpu.dma_semaphore, #tpu.memory_space<semaphore_mem>>) src(%dma_wait3A_99 : memref<1280xi32, #tpu.memory_space<hbm>>) dst(%arg6 : memref<1280xi32, #tpu.memory_space<vmem>>)
    %dma_wait3A_100 = arith.constant 0 : i32
    %dma_wait3A_101 = tpu.memref_slice %arg4[%add3A_89, %dma_wait3A_100] : memref<327680x32xf32, #tpu.memory_space<hbm>> -> memref<1280x32xf32, #tpu.memory_space<hbm>>
    %dma_wait3A_102 = arith.constant 0 : i32
    %dma_wait3A_103 = tpu.memref_slice %arg4[%add3A_89, %dma_wait3A_102] : memref<327680x32xf32, #tpu.memory_space<hbm>> -> memref<1280x32xf32, #tpu.memory_space<hbm>>
    tpu.wait_dma2 semaphore(%arg14 : memref<!tpu.dma_semaphore, #tpu.memory_space<semaphore_mem>>) src(%arg8 : memref<1280x32xf32, #tpu.memory_space<vmem>>) dst(%dma_wait3A_103 : memref<1280x32xf32, #tpu.memory_space<hbm>>)
    %dma_start3A_104 = arith.constant 0 : i32
    %dma_start3A_105 = arith.constant 0 : i32
    %dma_start3A_106 = tpu.memref_slice %arg3[%dma_start3A_104, %dma_start3A_105] : memref<1000000x32xf32, #tpu.memory_space<hbm>> -> memref<1000000x32xf32, #tpu.memory_space<hbm>>
    tpu.enqueue_indirect_dma source(%dma_start3A_106 : memref<1000000x32xf32, #tpu.memory_space<hbm>>) target(%arg8 : memref<1280x32xf32, #tpu.memory_space<vmem>>) offsets(%arg6 : memref<1280xi32, #tpu.memory_space<vmem>>) semaphore(%arg12 : memref<!tpu.dma_semaphore, #tpu.memory_space<semaphore_mem>>)
    %dma_wait3A_107 = arith.constant 0 : i32
    %dma_wait3A_108 = arith.constant 0 : i32
    %dma_wait3A_109 = tpu.memref_slice %arg3[%dma_wait3A_107, %dma_wait3A_108] : memref<1000000x32xf32, #tpu.memory_space<hbm>> -> memref<1000000x32xf32, #tpu.memory_space<hbm>>
    tpu.wait_indirect_dma semaphore(%arg11 : memref<!tpu.dma_semaphore, #tpu.memory_space<semaphore_mem>>) src(%dma_wait3A_109 : memref<1000000x32xf32, #tpu.memory_space<hbm>>) dst(%arg7 : memref<1280x32xf32, #tpu.memory_space<vmem>>)
    %add3A_110 = arith.constant 5120 : i32
    %add3A_111 = arith.addi %mul3A_2, %add3A_110 : i32
    %dma_start3A_112 = arith.constant 0 : i32
    %dma_start3A_113 = tpu.memref_slice %arg4[%add3A_111, %dma_start3A_112] : memref<327680x32xf32, #tpu.memory_space<hbm>> -> memref<1280x32xf32, #tpu.memory_space<hbm>>
    %dma_start3A_114 = arith.constant 0 : i32
    %dma_start3A_115 = tpu.memref_slice %arg4[%add3A_111, %dma_start3A_114] : memref<327680x32xf32, #tpu.memory_space<hbm>> -> memref<1280x32xf32, #tpu.memory_space<hbm>>
    tpu.enqueue_dma source(%arg7 : memref<1280x32xf32, #tpu.memory_space<vmem>>) target(%dma_start3A_115 : memref<1280x32xf32, #tpu.memory_space<hbm>>) target_semaphore(%arg13 : memref<!tpu.dma_semaphore, #tpu.memory_space<semaphore_mem>>)
    %add3A_116 = arith.constant 7680 : i32
    %add3A_117 = arith.addi %mul3A_2, %add3A_116 : i32
    %dma_start3A_118 = tpu.memref_slice %arg2[%add3A_117] : memref<327680xi32, #tpu.memory_space<hbm>> -> memref<1280xi32, #tpu.memory_space<hbm>>
    %dma_start3A_119 = tpu.memref_slice %arg2[%add3A_117] : memref<327680xi32, #tpu.memory_space<hbm>> -> memref<1280xi32, #tpu.memory_space<hbm>>
    tpu.enqueue_dma source(%dma_start3A_119 : memref<1280xi32, #tpu.memory_space<hbm>>) target(%arg5 : memref<1280xi32, #tpu.memory_space<vmem>>) target_semaphore(%arg9 : memref<!tpu.dma_semaphore, #tpu.memory_space<semaphore_mem>>)
    %dma_wait3A_120 = tpu.memref_slice %arg2[%add3A_117] : memref<327680xi32, #tpu.memory_space<hbm>> -> memref<1280xi32, #tpu.memory_space<hbm>>
    %dma_wait3A_121 = tpu.memref_slice %arg2[%add3A_117] : memref<327680xi32, #tpu.memory_space<hbm>> -> memref<1280xi32, #tpu.memory_space<hbm>>
    tpu.wait_dma2 semaphore(%arg9 : memref<!tpu.dma_semaphore, #tpu.memory_space<semaphore_mem>>) src(%dma_wait3A_121 : memref<1280xi32, #tpu.memory_space<hbm>>) dst(%arg5 : memref<1280xi32, #tpu.memory_space<vmem>>)
    %dma_wait3A_122 = arith.constant 0 : i32
    %dma_wait3A_123 = tpu.memref_slice %arg4[%add3A_111, %dma_wait3A_122] : memref<327680x32xf32, #tpu.memory_space<hbm>> -> memref<1280x32xf32, #tpu.memory_space<hbm>>
    %dma_wait3A_124 = arith.constant 0 : i32
    %dma_wait3A_125 = tpu.memref_slice %arg4[%add3A_111, %dma_wait3A_124] : memref<327680x32xf32, #tpu.memory_space<hbm>> -> memref<1280x32xf32, #tpu.memory_space<hbm>>
    tpu.wait_dma2 semaphore(%arg13 : memref<!tpu.dma_semaphore, #tpu.memory_space<semaphore_mem>>) src(%arg7 : memref<1280x32xf32, #tpu.memory_space<vmem>>) dst(%dma_wait3A_125 : memref<1280x32xf32, #tpu.memory_space<hbm>>)
    %dma_start3A_126 = arith.constant 0 : i32
    %dma_start3A_127 = arith.constant 0 : i32
    %dma_start3A_128 = tpu.memref_slice %arg3[%dma_start3A_126, %dma_start3A_127] : memref<1000000x32xf32, #tpu.memory_space<hbm>> -> memref<1000000x32xf32, #tpu.memory_space<hbm>>
    tpu.enqueue_indirect_dma source(%dma_start3A_128 : memref<1000000x32xf32, #tpu.memory_space<hbm>>) target(%arg7 : memref<1280x32xf32, #tpu.memory_space<vmem>>) offsets(%arg5 : memref<1280xi32, #tpu.memory_space<vmem>>) semaphore(%arg11 : memref<!tpu.dma_semaphore, #tpu.memory_space<semaphore_mem>>)
    %dma_wait3A_129 = arith.constant 0 : i32
    %dma_wait3A_130 = arith.constant 0 : i32
    %dma_wait3A_131 = tpu.memref_slice %arg3[%dma_wait3A_129, %dma_wait3A_130] : memref<1000000x32xf32, #tpu.memory_space<hbm>> -> memref<1000000x32xf32, #tpu.memory_space<hbm>>
    tpu.wait_indirect_dma semaphore(%arg12 : memref<!tpu.dma_semaphore, #tpu.memory_space<semaphore_mem>>) src(%dma_wait3A_131 : memref<1000000x32xf32, #tpu.memory_space<hbm>>) dst(%arg8 : memref<1280x32xf32, #tpu.memory_space<vmem>>)
    %add3A_132 = arith.constant 6400 : i32
    %add3A_133 = arith.addi %mul3A_2, %add3A_132 : i32
    %dma_start3A_134 = arith.constant 0 : i32
    %dma_start3A_135 = tpu.memref_slice %arg4[%add3A_133, %dma_start3A_134] : memref<327680x32xf32, #tpu.memory_space<hbm>> -> memref<1280x32xf32, #tpu.memory_space<hbm>>
    %dma_start3A_136 = arith.constant 0 : i32
    %dma_start3A_137 = tpu.memref_slice %arg4[%add3A_133, %dma_start3A_136] : memref<327680x32xf32, #tpu.memory_space<hbm>> -> memref<1280x32xf32, #tpu.memory_space<hbm>>
    tpu.enqueue_dma source(%arg8 : memref<1280x32xf32, #tpu.memory_space<vmem>>) target(%dma_start3A_137 : memref<1280x32xf32, #tpu.memory_space<hbm>>) target_semaphore(%arg14 : memref<!tpu.dma_semaphore, #tpu.memory_space<semaphore_mem>>)
    %add3A_138 = arith.constant 8960 : i32
    %add3A_139 = arith.addi %mul3A_2, %add3A_138 : i32
    %dma_start3A_140 = tpu.memref_slice %arg2[%add3A_139] : memref<327680xi32, #tpu.memory_space<hbm>> -> memref<1280xi32, #tpu.memory_space<hbm>>
    %dma_start3A_141 = tpu.memref_slice %arg2[%add3A_139] : memref<327680xi32, #tpu.memory_space<hbm>> -> memref<1280xi32, #tpu.memory_space<hbm>>
    tpu.enqueue_dma source(%dma_start3A_141 : memref<1280xi32, #tpu.memory_space<hbm>>) target(%arg6 : memref<1280xi32, #tpu.memory_space<vmem>>) target_semaphore(%arg10 : memref<!tpu.dma_semaphore, #tpu.memory_space<semaphore_mem>>)
    %dma_wait3A_142 = tpu.memref_slice %arg2[%add3A_139] : memref<327680xi32, #tpu.memory_space<hbm>> -> memref<1280xi32, #tpu.memory_space<hbm>>
    %dma_wait3A_143 = tpu.memref_slice %arg2[%add3A_139] : memref<327680xi32, #tpu.memory_space<hbm>> -> memref<1280xi32, #tpu.memory_space<hbm>>
    tpu.wait_dma2 semaphore(%arg10 : memref<!tpu.dma_semaphore, #tpu.memory_space<semaphore_mem>>) src(%dma_wait3A_143 : memref<1280xi32, #tpu.memory_space<hbm>>) dst(%arg6 : memref<1280xi32, #tpu.memory_space<vmem>>)
    %dma_wait3A_144 = arith.constant 0 : i32
    %dma_wait3A_145 = tpu.memref_slice %arg4[%add3A_133, %dma_wait3A_144] : memref<327680x32xf32, #tpu.memory_space<hbm>> -> memref<1280x32xf32, #tpu.memory_space<hbm>>
    %dma_wait3A_146 = arith.constant 0 : i32
    %dma_wait3A_147 = tpu.memref_slice %arg4[%add3A_133, %dma_wait3A_146] : memref<327680x32xf32, #tpu.memory_space<hbm>> -> memref<1280x32xf32, #tpu.memory_space<hbm>>
    tpu.wait_dma2 semaphore(%arg14 : memref<!tpu.dma_semaphore, #tpu.memory_space<semaphore_mem>>) src(%arg8 : memref<1280x32xf32, #tpu.memory_space<vmem>>) dst(%dma_wait3A_147 : memref<1280x32xf32, #tpu.memory_space<hbm>>)
    %dma_start3A_148 = arith.constant 0 : i32
    %dma_start3A_149 = arith.constant 0 : i32
    %dma_start3A_150 = tpu.memref_slice %arg3[%dma_start3A_148, %dma_start3A_149] : memref<1000000x32xf32, #tpu.memory_space<hbm>> -> memref<1000000x32xf32, #tpu.memory_space<hbm>>
    tpu.enqueue_indirect_dma source(%dma_start3A_150 : memref<1000000x32xf32, #tpu.memory_space<hbm>>) target(%arg8 : memref<1280x32xf32, #tpu.memory_space<vmem>>) offsets(%arg6 : memref<1280xi32, #tpu.memory_space<vmem>>) semaphore(%arg12 : memref<!tpu.dma_semaphore, #tpu.memory_space<semaphore_mem>>)
    %dma_wait3A_151 = arith.constant 0 : i32
    %dma_wait3A_152 = arith.constant 0 : i32
    %dma_wait3A_153 = tpu.memref_slice %arg3[%dma_wait3A_151, %dma_wait3A_152] : memref<1000000x32xf32, #tpu.memory_space<hbm>> -> memref<1000000x32xf32, #tpu.memory_space<hbm>>
    tpu.wait_indirect_dma semaphore(%arg11 : memref<!tpu.dma_semaphore, #tpu.memory_space<semaphore_mem>>) src(%dma_wait3A_153 : memref<1000000x32xf32, #tpu.memory_space<hbm>>) dst(%arg7 : memref<1280x32xf32, #tpu.memory_space<vmem>>)
    %add3A_154 = arith.constant 7680 : i32
    %add3A_155 = arith.addi %mul3A_2, %add3A_154 : i32
    %dma_start3A_156 = arith.constant 0 : i32
    %dma_start3A_157 = tpu.memref_slice %arg4[%add3A_155, %dma_start3A_156] : memref<327680x32xf32, #tpu.memory_space<hbm>> -> memref<1280x32xf32, #tpu.memory_space<hbm>>
    %dma_start3A_158 = arith.constant 0 : i32
    %dma_start3A_159 = tpu.memref_slice %arg4[%add3A_155, %dma_start3A_158] : memref<327680x32xf32, #tpu.memory_space<hbm>> -> memref<1280x32xf32, #tpu.memory_space<hbm>>
    tpu.enqueue_dma source(%arg7 : memref<1280x32xf32, #tpu.memory_space<vmem>>) target(%dma_start3A_159 : memref<1280x32xf32, #tpu.memory_space<hbm>>) target_semaphore(%arg13 : memref<!tpu.dma_semaphore, #tpu.memory_space<semaphore_mem>>)
    %dma_wait3A_160 = arith.constant 0 : i32
    %dma_wait3A_161 = arith.constant 0 : i32
    %dma_wait3A_162 = tpu.memref_slice %arg3[%dma_wait3A_160, %dma_wait3A_161] : memref<1000000x32xf32, #tpu.memory_space<hbm>> -> memref<1000000x32xf32, #tpu.memory_space<hbm>>
    tpu.wait_indirect_dma semaphore(%arg12 : memref<!tpu.dma_semaphore, #tpu.memory_space<semaphore_mem>>) src(%dma_wait3A_162 : memref<1000000x32xf32, #tpu.memory_space<hbm>>) dst(%arg8 : memref<1280x32xf32, #tpu.memory_space<vmem>>)
    %add3A_163 = arith.constant 8960 : i32
    %add3A_164 = arith.addi %mul3A_2, %add3A_163 : i32
    %dma_start3A_165 = arith.constant 0 : i32
    %dma_start3A_166 = tpu.memref_slice %arg4[%add3A_164, %dma_start3A_165] : memref<327680x32xf32, #tpu.memory_space<hbm>> -> memref<1280x32xf32, #tpu.memory_space<hbm>>
    %dma_start3A_167 = arith.constant 0 : i32
    %dma_start3A_168 = tpu.memref_slice %arg4[%add3A_164, %dma_start3A_167] : memref<327680x32xf32, #tpu.memory_space<hbm>> -> memref<1280x32xf32, #tpu.memory_space<hbm>>
    tpu.enqueue_dma source(%arg8 : memref<1280x32xf32, #tpu.memory_space<vmem>>) target(%dma_start3A_168 : memref<1280x32xf32, #tpu.memory_space<hbm>>) target_semaphore(%arg14 : memref<!tpu.dma_semaphore, #tpu.memory_space<semaphore_mem>>)
    %dma_wait3A_169 = arith.constant 0 : i32
    %dma_wait3A_170 = tpu.memref_slice %arg4[%add3A_155, %dma_wait3A_169] : memref<327680x32xf32, #tpu.memory_space<hbm>> -> memref<1280x32xf32, #tpu.memory_space<hbm>>
    %dma_wait3A_171 = arith.constant 0 : i32
    %dma_wait3A_172 = tpu.memref_slice %arg4[%add3A_155, %dma_wait3A_171] : memref<327680x32xf32, #tpu.memory_space<hbm>> -> memref<1280x32xf32, #tpu.memory_space<hbm>>
    tpu.wait_dma2 semaphore(%arg13 : memref<!tpu.dma_semaphore, #tpu.memory_space<semaphore_mem>>) src(%arg7 : memref<1280x32xf32, #tpu.memory_space<vmem>>) dst(%dma_wait3A_172 : memref<1280x32xf32, #tpu.memory_space<hbm>>)
    %dma_wait3A_173 = arith.constant 0 : i32
    %dma_wait3A_174 = tpu.memref_slice %arg4[%add3A_164, %dma_wait3A_173] : memref<327680x32xf32, #tpu.memory_space<hbm>> -> memref<1280x32xf32, #tpu.memory_space<hbm>>
    %dma_wait3A_175 = arith.constant 0 : i32
    %dma_wait3A_176 = tpu.memref_slice %arg4[%add3A_164, %dma_wait3A_175] : memref<327680x32xf32, #tpu.memory_space<hbm>> -> memref<1280x32xf32, #tpu.memory_space<hbm>>
    tpu.wait_dma2 semaphore(%arg14 : memref<!tpu.dma_semaphore, #tpu.memory_space<semaphore_mem>>) src(%arg8 : memref<1280x32xf32, #tpu.memory_space<vmem>>) dst(%dma_wait3A_176 : memref<1280x32xf32, #tpu.memory_space<hbm>>)
    return
  }
}

</mosaic_0001>

<sc_bundles>
// kernel: _sc_embed.3.cloned.1.call-start
scs
__scs_entry_jumppad:
0x0: {  	(pc) =	sbr.rel $0x88, $3  }
0x1: {  	(tag) =	ssettag $0x0;
	lr =	simm.s32 $0x1  }
0x2: {  	[smem:$0x3F9F] =	sst lr;
	_ =	strace $0xD0000000  }
0x3: {  	_ = 	snop  }
0x4: {  	_ = 	snop  }
0x5: {  	_ = 	snop  }
0x6: {  	_ = 	snop  }
0x7: {  	_ = 	snop  }
__scs_overlays_trampoline_lowered:
0x8: {  	[smem:$0x3FAE] =	sst s0  }
0x9: {  	[smem:$0x3FAF] =	sst s1  }
0xa: {  	[smem:$0x3FB0] =	sst s2  }
0xb: {  	[smem:$0x3FB1] =	sst s3  }
0xc: {  	[smem:$0x3FB2] =	sst s4  }
0xd: {  	[smem:$0x3FB3] =	sst s5  }
0xe: {  	[smem:$0x3FB4] =	sst s6  }
0xf: {  	[smem:$0x3FB5] =	sst s7  }
0x10: {  	[smem:$0x3FB6] =	sst s8  }
0x11: {  	[smem:$0x3FB7] =	sst s9;
	s0 =	simm.s32 @!p0 $0x0  }
0x12: {  	s1 =	sld [smem:$0x3F9D];
	s0 =	simm.s32 @p0 $0x1  }
0x13: {  	[smem:$0x3FB8] =	sst s0;
	s0 =	simm.s32 @!p1 $0x0  }
0x14: {  	s2 =	sld [smem:$0x3F9C];
	s0 =	simm.s32 @p1 $0x1  }
0x15: {  	[smem:$0x3FB9] =	sst s0;
	s0 =	simm.s32 @!p2 $0x0  }
0x16: {  	s3 =	sld [smem:$0x3FDB];
	s0 =	simm.s32 @p2 $0x1  }
0x17: {  	s4 =	simm.s32 $0x1BF5;
	[smem:$0x3FBB] =	sst s0  }
0x18: {  	s0 =	sld [smem:$0x3F9E];
	_ =	swait.ge [sflag:s4], $0x0  }
0x19: {  	s7 =	sld [smem:$0x3F9F]  }
0x1a: {  	s8 =	sadd.s32 $0xFFFFE003, lr  }
0x1b: {  	s9 =	sadd.s32 $0xFFFFFEF7, lr;
	s5 =	simm.s32 $0xFFFFFFFF;
	p2 =	slt.u32 s8, $0xFFFFF086  }
0x1c: {  	p1 =	slt.u32 s9, $0xF7A;
	s5 =	simm.s32 @!p2 $0x0  }
0x1d: {  	s5 =	simm.s32 @p1 $0x1;
	p0 =	seq.s32 s7, s2  }
0x1e: {  	s7 =	smul.u32 @!p0 $0xF7A, s2;
	p2 =	seq.s32 @!p0 s5, $0x0  }
0x1f: {  	s9 =	smul.u32 $0xF7A, s1;
	s8 =	simm.s32 @!p0 $0x1BF5;
	p2 =	por !p2, p0  }
0x20: {  	[sflag:s8] =	ssyncset.s32 @!p0 $0xFFFFF086;
	s6 =	sadd.s32 @!p0 s3, s7;
	s7 =	simm.s32 @!p0 $0x108  }
0x21: {  	s3 =	sadd.s32 s3, s9;
	s6 =	sadd.s32 @!p0 $0x88, s6;
	s7 =	simm.s32 @p2 $0x1082  }
0x22: {  	[simem:s7], [sflag:s8] =	dma.local @!p0 [hbm:s6], $0xF7A  }
0x23: {  	s9 =	sor.u32 $0xD0000000, s2;
	s6 =	simm.s32 $0x108;
	_ =	swait.ge @!p0 [sflag:s8], $0x0  }
0x24: {  	s3 =	sadd.s32 $0x88, s3;
	s6 =	simm.s32 @!p1 $0x1082;
	[sflag:s4] =	ssyncset.s32 $0xFFFFF086  }
0x25: {  	[simem:s6], [sflag:s4] =	dma.local [hbm:s3], $0xF7A  }
0x26: {  	[smem:$0x3F9F] =	sst s1;
	(tag) =	ssettag s2;
	_ =	strace s9  }
0x27: {  	s1 =	sld [smem:$0x3FAF]  }
0x28: {  	s2 =	sld [smem:$0x3FB0]  }
0x29: {  	s4 =	sld [smem:$0x3FB2]  }
0x2a: {  	p0 =	seq.s32 s5, $0x0;
	s5 =	sld [smem:$0x3FB3]  }
0x2b: {  	s6 =	sld [smem:$0x3FB4]  }
0x2c: {  	s7 =	sld [smem:$0x3FB5]  }
0x2d: {  	s3 =	simm.s32 $0x108;
	s8 =	sld [smem:$0x3FB6]  }
0x2e: {  	s3 =	simm.s32 @!p0 $0x1082;
	s9 =	sld [smem:$0x3FB7]  }
0x2f: {  	lr =	sadd.s32 s0, s3;
	s0 =	sld [smem:$0x3FAE]  }
0x30: {  	s3 =	sld [smem:$0x3FB1]  }
0x31: {  	[smem:$0x3FBA] =	sst s10  }
0x32: {  	s10 =	sld [smem:$0x3FB8];
	_ =	sdelay $0x3  }
0x33: {  	p0 =	seq.s32 s10, $0x1;
	s10 =	sld [smem:$0x3FBA];
	_ =	sdelay $0x3  }
0x34: {  	[smem:$0x3FBA] =	sst s10  }
0x35: {  	s10 =	sld [smem:$0x3FB9];
	_ =	sdelay $0x3  }
0x36: {  	p1 =	seq.s32 s10, $0x1;
	s10 =	sld [smem:$0x3FBA];
	_ =	sdelay $0x3  }
0x37: {  	[smem:$0x3FBA] =	sst s10  }
0x38: {  	s10 =	sld [smem:$0x3FBB]  }
0x39: {  	_ = 	snop;
	(pc) =	sbr.ind lr, $3  }
0x3a: {  	_ = 	snop  }
0x3b: {  	_ = 	snop  }
0x3c: {  	p2 =	seq.s32 s10, $0x1;
	s10 =	sld [smem:$0x3FBA]  }
0x3d: {  	_ =	shalt  }
0x3e: {  	_ =	shalt  }
0x3f: {  	_ =	shalt  }
0x40: {  	_ =	shalt  }
0x41: {  	_ =	shalt  }
0x42: {  	_ =	shalt  }
0x43: {  	_ =	shalt  }
0x44: {  	_ =	shalt  }
0x45: {  	_ =	shalt  }
0x46: {  	_ =	shalt  }
0x47: {  	_ =	shalt  }
0x48: {  	_ =	shalt  }
0x49: {  	_ =	shalt  }
0x4a: {  	_ =	shalt  }
0x4b: {  	_ =	shalt  }
0x4c: {  	_ =	shalt  }
0x4d: {  	_ =	shalt  }
0x4e: {  	_ =	shalt  }
0x4f: {  	_ =	shalt  }
0x50: {  	_ =	shalt  }
0x51: {  	_ =	shalt  }
0x52: {  	_ =	shalt  }
0x53: {  	_ =	shalt  }
0x54: {  	_ =	shalt  }
0x55: {  	_ =	shalt  }
0x56: {  	_ =	shalt  }
0x57: {  	_ =	shalt  }
0x58: {  	_ =	shalt  }
0x59: {  	_ =	shalt  }
0x5a: {  	_ =	shalt  }
0x5b: {  	_ =	shalt  }
0x5c: {  	_ =	shalt  }
0x5d: {  	_ =	shalt  }
0x5e: {  	_ =	shalt  }
0x5f: {  	_ =	shalt  }
0x60: {  	_ =	shalt  }
0x61: {  	_ =	shalt  }
0x62: {  	_ =	shalt  }
0x63: {  	_ =	shalt  }
0x64: {  	_ =	shalt  }
0x65: {  	_ =	shalt  }
0x66: {  	_ =	shalt  }
0x67: {  	_ =	shalt  }
0x68: {  	_ =	shalt  }
0x69: {  	_ =	shalt  }
0x6a: {  	_ =	shalt  }
0x6b: {  	_ =	shalt  }
0x6c: {  	_ =	shalt  }
0x6d: {  	_ =	shalt  }
0x6e: {  	_ =	shalt  }
0x6f: {  	_ =	shalt  }
0x70: {  	_ =	shalt  }
0x71: {  	_ =	shalt  }
0x72: {  	_ =	shalt  }
0x73: {  	_ =	shalt  }
0x74: {  	_ =	shalt  }
0x75: {  	_ =	shalt  }
0x76: {  	_ =	shalt  }
0x77: {  	_ =	shalt  }
0x78: {  	_ =	shalt  }
0x79: {  	_ =	shalt  }
0x7a: {  	_ =	shalt  }
0x7b: {  	_ =	shalt  }
0x7c: {  	_ =	shalt  }
0x7d: {  	_ =	shalt  }
0x7e: {  	_ =	shalt  }
0x7f: {  	_ =	shalt  }
0x80: {  	_ =	shalt  }
0x81: {  	_ =	shalt  }
0x82: {  	_ =	shalt  }
0x83: {  	_ =	shalt  }
0x84: {  	_ =	shalt  }
0x85: {  	_ =	shalt  }
0x86: {  	_ =	shalt  }
0x87: {  	_ =	shalt  }
.Lfunc_end0:
.L_simem_size_0:
called_computation.1_lowered:
.L_overlay_start_0:
0x88: {  	s2 =	sld [smem:$0x3FD9]  }
0x89: {  	s3 =	sld [smem:$0x3FFE];
	_ =	sdelay $0x1  }
0x8a: {  	s1 =	srdreg.scid  }
0x8b: {  	s0 =	sand.u32 $0x1, s1  }
0x8c: {  	s17 =	sshll.u32 s0, $0xA;
	s2 =	sadd.s32 s3, s2  }
0x8d: {  	s2 =	sadd.s32 s2, s17  }
0x8e: {  	[smem:$0x3FC6] =	sst s2  }
0x8f: {  	_ = 	snop  }
0x90: {  	s2 =	sld [smem:$0x3FC9]  }
0x91: {  	s18 =	sld [smem:$0x3FD0];
	(tm) =	ssettm $0x1  }
0x92: {  	s4 =	sld [smem:$0x3FFB];
	_ =	sdelay $0x3  }
0x93: {  	_ =	strace s4  }
0x94: {  	s4 =	sld [smem:$0x3FFC];
	_ =	sdelay $0x3  }
0x95: {  	_ =	strace s4  }
0x96: {  	s4 =	sld [smem:$0x3FFD];
	_ =	sdelay $0x3  }
0x97: {  	_ =	strace s4  }
0x98: {  	_ =	strace $0x8FFFFFFF  }
0x99: {  	s19 =	sld [smem:$0x3FDB];
	_ =	sdelay $0x1  }
0x9a: {  	s5 =	simm.s32 $_scs_section_size  }
0x9b: {  	s6 =	simm.s32 $_size__tile_overlayer_lowered;
	s7 =	simm.s32 $_tile_overlayer_lowered  }
0x9c: {  	s22 =	simm.s32 $0x1BFF;
	s21 =	sshll.u32 s7, $0x1;
	s4 =	sadd.s32 s5, s19  }
0x9d: {  	s8 =	simm.s32 $0x0;
	s20 =	sshll.u32 s6, $0x1;
	s6 =	sadd.s32 s21, s4  }
0x9e: {  	[timem:s8], [sflag:s22] =	dma.local [hbm:s6], s20  }
0x9f: {  	_ =	swait.ge [sflag:s22], s20  }
0xa0: {  	s5 =	ssub.s32 $0x0, s20;
	[sflag:s22] =	ssyncset.done $0x0  }
0xa1: {  	[sflag:s22] =	ssyncadd.s32 s5;
	_ =	sdelay $0x1  }
0xa2: {  	s23 =	simm.s32 $0x1B8B  }
0xa3: {  	_ =	swait.ge [sflag:s23], $0x1  }
0xa4: {  	[sflag:s23] =	ssyncset.done $0x0  }
0xa5: {  	s25 =	simm.s32 $0x1B8E;
	s24 =	sld [smem:$0x3FFE];
	[sflag:s23] =	ssyncadd.s32 $0xFFFFFFFF  }
0xa6: {  	s26 =	simm.s32 $execute0_lowered;
	[smem:$0x3FD2] =	sst s25  }
0xa7: {  	s6 =	sshll.u32 s26, $0x1;
	_ =	strace $0x80000046;
	[dreg:$0x1] =	wrdreg $0xFFFFFFFF  }
0xa8: {  	s28 =	simm.s32 $_size_execute0_lowered;
	s4 =	sadd.s32 s4, s6;
	[dreg:$0x0] =	wrdreg $0x0  }
0xa9: {  	s6 =	sshll.u32 s28, $0x1;
	[dreg:$0x2] =	wrdreg s4  }
0xaa: {  	[dreg:$0x3] =	wrdreg s6  }
0xab: {  	[dreg:$0x4] =	wrdreg $0xC0  }
0xac: {  	_ =	task [dreg:s8], $0x5FFFF  }
0xad: {  	[dreg:$0x1] =	wrdreg $0xFFFFFFFF  }
0xae: {  	[dreg:$0x0] =	wrdreg $0x60  }
0xaf: {  	[dreg:$0x2] =	wrdreg s2  }
0xb0: {  	[dreg:$0x3] =	wrdreg s24  }
0xb1: {  	[dreg:$0x4] =	wrdreg s18  }
0xb2: {  	[dreg:$0x5] =	wrdreg $0x9  }
0xb3: {  	_ =	task.clear_ibuf [dreg:s8], $0x6FFFF;
	_ =	strace $0x90000046  }
0xb4: {  	s29 =	simm.s32 $0x9;
	_ =	strace $0x80000048  }
0xb5: {  	_ =	swait.ge [sflag:s29], $0x1  }
0xb6: {  	[sflag:s29] =	ssyncadd.s32 $0xFFFFFFFF  }
0xb7: {  	_ =	strace $0x90000048  }
0xb8: {  	_ =	sfence  }
0xb9: {  	s30 =	sld [smem:$0x0];
	_ =	sdelay $0x2  }
0xba: {  	s31 =	sshll.u32 s1, $0xD;
	s1 =	sshrl.u32 s1, $0x2  }
0xbb: {  	s3 =	sand.u32 $0x4000, s31;
	s1 =	sadd.s32 s1, s30  }
0xbc: {  	s0 =	sor.u32 s3, s0;
	s1 =	sshll.u32 s1, $0x11  }
0xbd: {  	s0 =	sor.u32 s1, s0  }
0xbe: {  	s0 =	sadd.s32 $0x8F2B, s0  }
0xbf: {  	[sflag:s0] =	ssyncadd.remote.s32 $0x1  }
0xc0: {  	_ =	sfence.sel $0xFFFF  }
0xc1: {  	[dreg:$0x0] =	wrdreg $0xFFFFFFFF;
	(pc) =	sbr.abs _section_cstart, $3  }
0xc2: {  	[dreg:$0x1] =	wrdreg $0xFFFFFFFF  }
0xc3: {  	_ =	task.clear_ibuf [dreg:s8], $0x2FFFF;
	_ =	strace $0x9FFFFFFF  }
0xc4: {  	(tm) =	ssettm $0x7FFFFFFF  }
0xc5: {  	_ =	shalt  }
tec
execute0_lowered:
.L_overlay_start_1:
0x0: {  	(tag) =	ssettag $0x1  }
0x1: {  	s1 =	srdreg.scid;
	s0 =	stileid.u32  }
0x2: {  	s30 =	sand.u32 $0x1, s1;
	s25 =	sshll.u32 s0, $0x1  }
0x3: {  	s26 =	rddreg [dreg:$0x0];
	s12 =	sor.u32 s30, s25  }
0x4: {  	s7 =	rddreg [dreg:$0x1];
	s28 =	smul.u32 $0x2800, s12  }
0x5: {  	s29 =	rddreg [dreg:$0x2];
	s2 =	simm.s32 $0x0  }
0x6: {  	[smem:$0x7FF] =	sst s2;
	s3 =	sshrl.u32 s28, $0x3;
	s16 =	sor.u32 $0x500, s28  }
0x7: {  	_ =	strace $0x80000047;
	s3 =	sadd.s32 s26, s3;
	s4 =	sshrl.u32 s16, $0x3  }
0x8: {  	[tilespmem:s2], [sflag:$0x1] =	stream.linear.gather [hbm4b:s3+s2], $0x500, $0x38;
	[tilespmem:$0x14A00] =	vst v63  }
0x9: {  	s5 =	simm.s32 $0x500;
	s6 =	simm.s32 $0x1;
	s4 =	sadd.s32 s26, s4  }
0xa: {  	[tilespmem:s5], [sflag:$0x2] =	stream.linear.gather [hbm4b:s4+s2], $0x500, $0x38;
	[tilespmem:$0x14A00] =	vst v63  }
0xb: {  	_ =	swait.ge [sflag:s6], $0x500  }
0xc: {  	s8 =	simm.s32 $0xA00;
	[sflag:s6] =	ssyncset.done $0x0  }
0xd: {  	s9 =	simm.s32 $0x2;
	s7 =	sadd.s32 $0xF42C00, s7;
	[sflag:s6] =	ssyncadd.s32 $0xFFFFFB00  }
0xe: {  	[tilespmem:s8], [sflag:$0x3] =	stream.indirect.gather [hbm4b:s7+s5], $0x20, s2, s5, $0xb8;
	[tilespmem:$0x14A00] =	vst v63  }
0xf: {  	_ =	swait.ge [sflag:s9], $0x500  }
0x10: {  	[sflag:s9] =	ssyncset.done $0x0  }
0x11: {  	s10 =	simm.s32 $0xAA00;
	s11 =	simm.s32 $0x3;
	[sflag:s9] =	ssyncadd.s32 $0xFFFFFB00  }
0x12: {  	[tilespmem:s10], [sflag:$0x4] =	stream.indirect.gather [hbm4b:s7+s5], $0x20, s5, s5, $0xb8;
	[tilespmem:$0x14A00] =	vst v63  }
0x13: {  	s12 =	smul.u32 $0xA000, s12;
	_ =	swait.ge [sflag:s11], $0xA000  }
0x14: {  	s19 =	sadd.s32 $0xA00, s28;
	[sflag:s11] =	ssyncset.done $0x0  }
0x15: {  	s12 =	sadd.s32 s29, s12;
	s13 =	sshrl.u32 s19, $0x3;
	[sflag:s11] =	ssyncadd.s32 $0xFFFF6000  }
0x16: {  	[hbm4b:s12+s2] =	stream.linear.scatter [tilespmem:s8], [sflag:$0x5], $0xA000, $0x38;
	[tilespmem:$0x14A00] =	vst v63  }
0x17: {  	s13 =	sadd.s32 s26, s13  }
0x18: {  	[tilespmem:s2], [sflag:$0x1] =	stream.linear.gather [hbm4b:s13+s2], $0x500, $0x38;
	[tilespmem:$0x14A00] =	vst v63  }
0x19: {  	_ =	swait.ge [sflag:s6], $0x500  }
0x1a: {  	[sflag:s6] =	ssyncset.done $0x0  }
0x1b: {  	s14 =	simm.s32 $0x5;
	[sflag:s6] =	ssyncadd.s32 $0xFFFFFB00  }
0x1c: {  	_ =	swait.ge [sflag:s14], $0xA000  }
0x1d: {  	[sflag:s14] =	ssyncset.done $0x0  }
0x1e: {  	s15 =	simm.s32 $0x4;
	[sflag:s14] =	ssyncadd.s32 $0xFFFF6000  }
0x1f: {  	[tilespmem:s8], [sflag:$0x3] =	stream.indirect.gather [hbm4b:s7+s5], $0x20, s2, s5, $0xb8;
	[tilespmem:$0x14A00] =	vst v63  }
0x20: {  	_ =	swait.ge [sflag:s15], $0xA000  }
0x21: {  	s21 =	sadd.s32 $0xF00, s28;
	s16 =	sshll.u32 s16, $0x2;
	[sflag:s15] =	ssyncset.done $0x0  }
0x22: {  	s17 =	sshrl.u32 s21, $0x3;
	s16 =	sadd.s32 s29, s16;
	[sflag:s15] =	ssyncadd.s32 $0xFFFF6000  }
0x23: {  	[hbm4b:s16+s2] =	stream.linear.scatter [tilespmem:s10], [sflag:$0x6], $0xA000, $0x38;
	[tilespmem:$0x14A00] =	vst v63  }
0x24: {  	s17 =	sadd.s32 s26, s17  }
0x25: {  	[tilespmem:s5], [sflag:$0x2] =	stream.linear.gather [hbm4b:s17+s2], $0x500, $0x38;
	[tilespmem:$0x14A00] =	vst v63  }
0x26: {  	_ =	swait.ge [sflag:s9], $0x500  }
0x27: {  	[sflag:s9] =	ssyncset.done $0x0  }
0x28: {  	s18 =	simm.s32 $0x6;
	[sflag:s9] =	ssyncadd.s32 $0xFFFFFB00  }
0x29: {  	_ =	swait.ge [sflag:s18], $0xA000  }
0x2a: {  	[sflag:s18] =	ssyncset.done $0x0  }
0x2b: {  	[sflag:s18] =	ssyncadd.s32 $0xFFFF6000  }
0x2c: {  	[tilespmem:s10], [sflag:$0x4] =	stream.indirect.gather [hbm4b:s7+s5], $0x20, s5, s5, $0xb8;
	[tilespmem:$0x14A00] =	vst v63  }
0x2d: {  	_ =	swait.ge [sflag:s11], $0xA000  }
0x2e: {  	s23 =	sadd.s32 $0x1400, s28;
	s19 =	sshll.u32 s19, $0x2;
	[sflag:s11] =	ssyncset.done $0x0  }
0x2f: {  	s20 =	sshrl.u32 s23, $0x3;
	s19 =	sadd.s32 s29, s19;
	[sflag:s11] =	ssyncadd.s32 $0xFFFF6000  }
0x30: {  	[hbm4b:s19+s2] =	stream.linear.scatter [tilespmem:s8], [sflag:$0x5], $0xA000, $0x38;
	[tilespmem:$0x14A00] =	vst v63  }
0x31: {  	s20 =	sadd.s32 s26, s20  }
0x32: {  	[tilespmem:s2], [sflag:$0x1] =	stream.linear.gather [hbm4b:s20+s2], $0x500, $0x38;
	[tilespmem:$0x14A00] =	vst v63  }
0x33: {  	_ =	swait.ge [sflag:s6], $0x500  }
0x34: {  	[sflag:s6] =	ssyncset.done $0x0  }
0x35: {  	[sflag:s6] =	ssyncadd.s32 $0xFFFFFB00  }
0x36: {  	_ =	swait.ge [sflag:s14], $0xA000  }
0x37: {  	[sflag:s14] =	ssyncset.done $0x0  }
0x38: {  	[sflag:s14] =	ssyncadd.s32 $0xFFFF6000  }
0x39: {  	[tilespmem:s8], [sflag:$0x3] =	stream.indirect.gather [hbm4b:s7+s5], $0x20, s2, s5, $0xb8;
	[tilespmem:$0x14A00] =	vst v63  }
0x3a: {  	_ =	swait.ge [sflag:s15], $0xA000  }
0x3b: {  	s25 =	sadd.s32 $0x1900, s28;
	s21 =	sshll.u32 s21, $0x2;
	[sflag:s15] =	ssyncset.done $0x0  }
0x3c: {  	s22 =	sshrl.u32 s25, $0x3;
	s21 =	sadd.s32 s29, s21;
	[sflag:s15] =	ssyncadd.s32 $0xFFFF6000  }
0x3d: {  	[hbm4b:s21+s2] =	stream.linear.scatter [tilespmem:s10], [sflag:$0x6], $0xA000, $0x38;
	[tilespmem:$0x14A00] =	vst v63  }
0x3e: {  	s22 =	sadd.s32 s26, s22  }
0x3f: {  	[tilespmem:s5], [sflag:$0x2] =	stream.linear.gather [hbm4b:s22+s2], $0x500, $0x38;
	[tilespmem:$0x14A00] =	vst v63  }
0x40: {  	_ =	swait.ge [sflag:s9], $0x500  }
0x41: {  	[sflag:s9] =	ssyncset.done $0x0  }
0x42: {  	[sflag:s9] =	ssyncadd.s32 $0xFFFFFB00  }
0x43: {  	_ =	swait.ge [sflag:s18], $0xA000  }
0x44: {  	[sflag:s18] =	ssyncset.done $0x0  }
0x45: {  	[sflag:s18] =	ssyncadd.s32 $0xFFFF6000  }
0x46: {  	[tilespmem:s10], [sflag:$0x4] =	stream.indirect.gather [hbm4b:s7+s5], $0x20, s5, s5, $0xb8;
	[tilespmem:$0x14A00] =	vst v63  }
0x47: {  	_ =	swait.ge [sflag:s11], $0xA000  }
0x48: {  	s31 =	sadd.s32 $0x1E00, s28;
	s23 =	sshll.u32 s23, $0x2;
	[sflag:s11] =	ssyncset.done $0x0  }
0x49: {  	s24 =	sshrl.u32 s31, $0x3;
	s23 =	sadd.s32 s29, s23;
	[sflag:s11] =	ssyncadd.s32 $0xFFFF6000  }
0x4a: {  	[hbm4b:s23+s2] =	stream.linear.scatter [tilespmem:s8], [sflag:$0x5], $0xA000, $0x38;
	[tilespmem:$0x14A00] =	vst v63  }
0x4b: {  	s24 =	sadd.s32 s26, s24  }
0x4c: {  	[tilespmem:s2], [sflag:$0x1] =	stream.linear.gather [hbm4b:s24+s2], $0x500, $0x38;
	[tilespmem:$0x14A00] =	vst v63  }
0x4d: {  	_ =	swait.ge [sflag:s6], $0x500  }
0x4e: {  	[sflag:s6] =	ssyncset.done $0x0  }
0x4f: {  	[sflag:s6] =	ssyncadd.s32 $0xFFFFFB00  }
0x50: {  	_ =	swait.ge [sflag:s14], $0xA000  }
0x51: {  	[sflag:s14] =	ssyncset.done $0x0  }
0x52: {  	[sflag:s14] =	ssyncadd.s32 $0xFFFF6000  }
0x53: {  	[tilespmem:s8], [sflag:$0x3] =	stream.indirect.gather [hbm4b:s7+s5], $0x20, s2, s5, $0xb8;
	[tilespmem:$0x14A00] =	vst v63  }
0x54: {  	_ =	swait.ge [sflag:s15], $0xA000  }
0x55: {  	s1 =	sadd.s32 $0x2300, s28;
	s25 =	sshll.u32 s25, $0x2;
	[sflag:s15] =	ssyncset.done $0x0  }
0x56: {  	s28 =	sshrl.u32 s1, $0x3;
	s25 =	sadd.s32 s29, s25;
	[sflag:s15] =	ssyncadd.s32 $0xFFFF6000  }
0x57: {  	[hbm4b:s25+s2] =	stream.linear.scatter [tilespmem:s10], [sflag:$0x6], $0xA000, $0x38;
	[tilespmem:$0x14A00] =	vst v63  }
0x58: {  	s26 =	sadd.s32 s26, s28  }
0x59: {  	[tilespmem:s5], [sflag:$0x2] =	stream.linear.gather [hbm4b:s26+s2], $0x500, $0x38;
	[tilespmem:$0x14A00] =	vst v63  }
0x5a: {  	_ =	swait.ge [sflag:s9], $0x500  }
0x5b: {  	[sflag:s9] =	ssyncset.done $0x0  }
0x5c: {  	[sflag:s9] =	ssyncadd.s32 $0xFFFFFB00  }
0x5d: {  	_ =	swait.ge [sflag:s18], $0xA000  }
0x5e: {  	[sflag:s18] =	ssyncset.done $0x0  }
0x5f: {  	[sflag:s18] =	ssyncadd.s32 $0xFFFF6000  }
0x60: {  	[tilespmem:s10], [sflag:$0x4] =	stream.indirect.gather [hbm4b:s7+s5], $0x20, s5, s5, $0xb8;
	[tilespmem:$0x14A00] =	vst v63  }
0x61: {  	s1 =	sshll.u32 s1, $0x2;
	_ =	swait.ge [sflag:s11], $0xA000  }
0x62: {  	s28 =	sshll.u32 s31, $0x2;
	s31 =	ssub.s32 $0x2, s30;
	[sflag:s11] =	ssyncset.done $0x0  }
0x63: {  	s28 =	sadd.s32 s29, s28;
	s30 =	sshrl.u32 s31, $0x1;
	[sflag:s11] =	ssyncadd.s32 $0xFFFF6000  }
0x64: {  	[hbm4b:s28+s2] =	stream.linear.scatter [tilespmem:s8], [sflag:$0x5], $0xA000, $0x38;
	[tilespmem:$0x14A00] =	vst v63  }
0x65: {  	s29 =	sadd.s32 s29, s1;
	s1 =	ssub.s32 s31, s30;
	_ =	swait.ge [sflag:s15], $0xA000  }
0x66: {  	s1 =	smax.u32 s1, $0x1;
	[sflag:s15] =	ssyncset.done $0x0  }
0x67: {  	p0 =	sne.s32 s1, $0x1;
	[sflag:s15] =	ssyncadd.s32 $0xFFFF6000  }
0x68: {  	[hbm4b:s29+s2] =	stream.linear.scatter [tilespmem:s10], [sflag:$0x6], $0xA000, $0x38;
	[tilespmem:$0x14A00] =	vst v63  }
.Ltmp0:
0x69: {  	_ =	swait.ge [sflag:s14], $0xA000;
	(pc) =	sbr.rel @!p0 .LBB2_2-.Ltmp0, $4  }
0x6a: {  	[sflag:s14] =	ssyncset.done $0x0  }
0x6b: {  	[sflag:s14] =	ssyncadd.s32 $0xFFFF6000  }
0x6c: {  	_ =	swait.ge [sflag:s18], $0xA000  }
0x6d: {  	s30 =	sadd.s32 $0xFFFFFFFF, s1;
	[sflag:s18] =	ssyncset.done $0x0  }
.LBB2_1:
0x6e: {  	p0 =	sne.s32 s30, $0x1;
	s30 =	sadd.s32 $0xFFFFFFFF, s30;
	[sflag:s18] =	ssyncadd.s32 $0xFFFF6000  }
0x6f: {  	[tilespmem:s2], [sflag:$0x1] =	stream.linear.gather [hbm4b:s3+s2], $0x500, $0x38;
	[tilespmem:$0x14A00] =	vst v63  }
0x70: {  	_ = 	snop  }
0x71: {  	[tilespmem:s5], [sflag:$0x2] =	stream.linear.gather [hbm4b:s4+s2], $0x500, $0x38;
	[tilespmem:$0x14A00] =	vst v63  }
0x72: {  	_ =	swait.ge [sflag:s6], $0x500  }
0x73: {  	[sflag:s6] =	ssyncset.done $0x0  }
0x74: {  	[sflag:s6] =	ssyncadd.s32 $0xFFFFFB00  }
0x75: {  	[tilespmem:s8], [sflag:$0x3] =	stream.indirect.gather [hbm4b:s7+s5], $0x20, s2, s5, $0xb8;
	[tilespmem:$0x14A00] =	vst v63  }
0x76: {  	_ =	swait.ge [sflag:s9], $0x500  }
0x77: {  	[sflag:s9] =	ssyncset.done $0x0  }
0x78: {  	[sflag:s9] =	ssyncadd.s32 $0xFFFFFB00  }
0x79: {  	[tilespmem:s10], [sflag:$0x4] =	stream.indirect.gather [hbm4b:s7+s5], $0x20, s5, s5, $0xb8;
	[tilespmem:$0x14A00] =	vst v63  }
0x7a: {  	_ =	swait.ge [sflag:s11], $0xA000  }
0x7b: {  	[sflag:s11] =	ssyncset.done $0x0  }
0x7c: {  	[sflag:s11] =	ssyncadd.s32 $0xFFFF6000  }
0x7d: {  	[hbm4b:s12+s2] =	stream.linear.scatter [tilespmem:s8], [sflag:$0x5], $0xA000, $0x38;
	[tilespmem:$0x14A00] =	vst v63  }
0x7e: {  	_ = 	snop  }
0x7f: {  	[tilespmem:s2], [sflag:$0x1] =	stream.linear.gather [hbm4b:s13+s2], $0x500, $0x38;
	[tilespmem:$0x14A00] =	vst v63  }
0x80: {  	_ =	swait.ge [sflag:s6], $0x500  }
0x81: {  	[sflag:s6] =	ssyncset.done $0x0  }
0x82: {  	[sflag:s6] =	ssyncadd.s32 $0xFFFFFB00  }
0x83: {  	_ =	swait.ge [sflag:s14], $0xA000  }
0x84: {  	[sflag:s14] =	ssyncset.done $0x0  }
0x85: {  	[sflag:s14] =	ssyncadd.s32 $0xFFFF6000  }
0x86: {  	[tilespmem:s8], [sflag:$0x3] =	stream.indirect.gather [hbm4b:s7+s5], $0x20, s2, s5, $0xb8;
	[tilespmem:$0x14A00] =	vst v63  }
0x87: {  	_ =	swait.ge [sflag:s15], $0xA000  }
0x88: {  	[sflag:s15] =	ssyncset.done $0x0  }
0x89: {  	[sflag:s15] =	ssyncadd.s32 $0xFFFF6000  }
0x8a: {  	[hbm4b:s16+s2] =	stream.linear.scatter [tilespmem:s10], [sflag:$0x6], $0xA000, $0x38;
	[tilespmem:$0x14A00] =	vst v63  }
0x8b: {  	_ = 	snop  }
0x8c: {  	[tilespmem:s5], [sflag:$0x2] =	stream.linear.gather [hbm4b:s17+s2], $0x500, $0x38;
	[tilespmem:$0x14A00] =	vst v63  }
0x8d: {  	_ =	swait.ge [sflag:s9], $0x500  }
0x8e: {  	[sflag:s9] =	ssyncset.done $0x0  }
0x8f: {  	[sflag:s9] =	ssyncadd.s32 $0xFFFFFB00  }
0x90: {  	_ =	swait.ge [sflag:s18], $0xA000  }
0x91: {  	[sflag:s18] =	ssyncset.done $0x0  }
0x92: {  	[sflag:s18] =	ssyncadd.s32 $0xFFFF6000  }
0x93: {  	[tilespmem:s10], [sflag:$0x4] =	stream.indirect.gather [hbm4b:s7+s5], $0x20, s5, s5, $0xb8;
	[tilespmem:$0x14A00] =	vst v63  }
0x94: {  	_ =	swait.ge [sflag:s11], $0xA000  }
0x95: {  	[sflag:s11] =	ssyncset.done $0x0  }
0x96: {  	[sflag:s11] =	ssyncadd.s32 $0xFFFF6000  }
0x97: {  	[hbm4b:s19+s2] =	stream.linear.scatter [tilespmem:s8], [sflag:$0x5], $0xA000, $0x38;
	[tilespmem:$0x14A00] =	vst v63  }
0x98: {  	_ = 	snop  }
0x99: {  	[tilespmem:s2], [sflag:$0x1] =	stream.linear.gather [hbm4b:s20+s2], $0x500, $0x38;
	[tilespmem:$0x14A00] =	vst v63  }
0x9a: {  	_ =	swait.ge [sflag:s6], $0x500  }
0x9b: {  	[sflag:s6] =	ssyncset.done $0x0  }
0x9c: {  	[sflag:s6] =	ssyncadd.s32 $0xFFFFFB00  }
0x9d: {  	_ =	swait.ge [sflag:s14], $0xA000  }
0x9e: {  	[sflag:s14] =	ssyncset.done $0x0  }
0x9f: {  	[sflag:s14] =	ssyncadd.s32 $0xFFFF6000  }
0xa0: {  	[tilespmem:s8], [sflag:$0x3] =	stream.indirect.gather [hbm4b:s7+s5], $0x20, s2, s5, $0xb8;
	[tilespmem:$0x14A00] =	vst v63  }
0xa1: {  	_ =	swait.ge [sflag:s15], $0xA000  }
0xa2: {  	[sflag:s15] =	ssyncset.done $0x0  }
0xa3: {  	[sflag:s15] =	ssyncadd.s32 $0xFFFF6000  }
0xa4: {  	[hbm4b:s21+s2] =	stream.linear.scatter [tilespmem:s10], [sflag:$0x6], $0xA000, $0x38;
	[tilespmem:$0x14A00] =	vst v63  }
0xa5: {  	_ = 	snop  }
0xa6: {  	[tilespmem:s5], [sflag:$0x2] =	stream.linear.gather [hbm4b:s22+s2], $0x500, $0x38;
	[tilespmem:$0x14A00] =	vst v63  }
0xa7: {  	_ =	swait.ge [sflag:s9], $0x500  }
0xa8: {  	[sflag:s9] =	ssyncset.done $0x0  }
0xa9: {  	[sflag:s9] =	ssyncadd.s32 $0xFFFFFB00  }
0xaa: {  	_ =	swait.ge [sflag:s18], $0xA000  }
0xab: {  	[sflag:s18] =	ssyncset.done $0x0  }
0xac: {  	[sflag:s18] =	ssyncadd.s32 $0xFFFF6000  }
0xad: {  	[tilespmem:s10], [sflag:$0x4] =	stream.indirect.gather [hbm4b:s7+s5], $0x20, s5, s5, $0xb8;
	[tilespmem:$0x14A00] =	vst v63  }
0xae: {  	_ =	swait.ge [sflag:s11], $0xA000  }
0xaf: {  	[sflag:s11] =	ssyncset.done $0x0  }
0xb0: {  	[sflag:s11] =	ssyncadd.s32 $0xFFFF6000  }
0xb1: {  	[hbm4b:s23+s2] =	stream.linear.scatter [tilespmem:s8], [sflag:$0x5], $0xA000, $0x38;
	[tilespmem:$0x14A00] =	vst v63  }
0xb2: {  	_ = 	snop  }
0xb3: {  	[tilespmem:s2], [sflag:$0x1] =	stream.linear.gather [hbm4b:s24+s2], $0x500, $0x38;
	[tilespmem:$0x14A00] =	vst v63  }
0xb4: {  	_ =	swait.ge [sflag:s6], $0x500  }
0xb5: {  	[sflag:s6] =	ssyncset.done $0x0  }
0xb6: {  	[sflag:s6] =	ssyncadd.s32 $0xFFFFFB00  }
0xb7: {  	_ =	swait.ge [sflag:s14], $0xA000  }
0xb8: {  	[sflag:s14] =	ssyncset.done $0x0  }
0xb9: {  	[sflag:s14] =	ssyncadd.s32 $0xFFFF6000  }
0xba: {  	[tilespmem:s8], [sflag:$0x3] =	stream.indirect.gather [hbm4b:s7+s5], $0x20, s2, s5, $0xb8;
	[tilespmem:$0x14A00] =	vst v63  }
0xbb: {  	_ =	swait.ge [sflag:s15], $0xA000  }
0xbc: {  	[sflag:s15] =	ssyncset.done $0x0  }
0xbd: {  	[sflag:s15] =	ssyncadd.s32 $0xFFFF6000  }
0xbe: {  	[hbm4b:s25+s2] =	stream.linear.scatter [tilespmem:s10], [sflag:$0x6], $0xA000, $0x38;
	[tilespmem:$0x14A00] =	vst v63  }
0xbf: {  	_ = 	snop  }
0xc0: {  	[tilespmem:s5], [sflag:$0x2] =	stream.linear.gather [hbm4b:s26+s2], $0x500, $0x38;
	[tilespmem:$0x14A00] =	vst v63  }
0xc1: {  	_ =	swait.ge [sflag:s9], $0x500  }
0xc2: {  	[sflag:s9] =	ssyncset.done $0x0  }
0xc3: {  	[sflag:s9] =	ssyncadd.s32 $0xFFFFFB00  }
0xc4: {  	_ =	swait.ge [sflag:s18], $0xA000  }
0xc5: {  	[sflag:s18] =	ssyncset.done $0x0  }
0xc6: {  	[sflag:s18] =	ssyncadd.s32 $0xFFFF6000  }
0xc7: {  	[tilespmem:s10], [sflag:$0x4] =	stream.indirect.gather [hbm4b:s7+s5], $0x20, s5, s5, $0xb8;
	[tilespmem:$0x14A00] =	vst v63  }
0xc8: {  	_ =	swait.ge [sflag:s11], $0xA000  }
0xc9: {  	[sflag:s11] =	ssyncset.done $0x0  }
0xca: {  	[sflag:s11] =	ssyncadd.s32 $0xFFFF6000  }
0xcb: {  	[hbm4b:s28+s2] =	stream.linear.scatter [tilespmem:s8], [sflag:$0x5], $0xA000, $0x38;
	[tilespmem:$0x14A00] =	vst v63  }
0xcc: {  	_ =	swait.ge [sflag:s15], $0xA000  }
0xcd: {  	[sflag:s15] =	ssyncset.done $0x0  }
0xce: {  	[sflag:s15] =	ssyncadd.s32 $0xFFFF6000  }
0xcf: {  	[hbm4b:s29+s2] =	stream.linear.scatter [tilespmem:s10], [sflag:$0x6], $0xA000, $0x38;
	[tilespmem:$0x14A00] =	vst v63  }
.Ltmp1:
0xd0: {  	_ =	swait.ge [sflag:s14], $0xA000;
	(pc) =	sbr.rel @p0 .LBB2_1-.Ltmp1, $4  }
0xd1: {  	[sflag:s14] =	ssyncset.done $0x0  }
0xd2: {  	[sflag:s14] =	ssyncadd.s32 $0xFFFF6000  }
0xd3: {  	_ =	swait.ge [sflag:s18], $0xA000  }
0xd4: {  	[sflag:s18] =	ssyncset.done $0x0  }
.LBB2_2:
0xd5: {  	[sflag:s18] =	ssyncadd.s32 $0xFFFF6000  }
0xd6: {  	_ =	sfence.sel $0x180000  }
0xd7: {  	[bflag:$0x0] =	sbarrier.arrive $0xFFFF  }
0xd8: {  	_ =	strace $0x90000047  }
0xd9: {  	[bflag:$0x2] =	sbarrier.arrive $0xFFFF  }
0xda: {  	p0 =	sne.s32 s0, $0x0;
	s0 =	rddreg [dreg:$0x3]  }
0xdb: {  	s0 =	sadd.s32 @!p0 $0x100000, s0  }
0xdc: {  	[sflag:s0] =	ssyncadd.tile.s32 @!p0 $0x1;
	_ =	shalt  }
.Lfunc_end2:
_tile_overlayer_lowered:
.L_overlay_start_2:
0xdd: {  	(tag) =	ssettag $0x2  }
0xde: {  	s0 =	rddreg [dreg:$0x0];
	s2 =	stileid.u32  }
0xdf: {  	s1 =	rddreg [dreg:$0x1];
	p0 =	sne.s32 s2, $0x0  }
0xe0: {  	s3 =	rddreg [dreg:$0x2];
	[bflag:$0x3] =	sbarrier.arrive $0xFFFF;
	s2 =	simm.s32 @!p0 $0x1C07  }
0xe1: {  	[timem:s3], [sflag:s2] =	dma.local @!p0 [hbm:s0], s1  }
0xe2: {  	s0 =	simm.s32 @!p0 $0x7  }
0xe3: {  	_ =	swait.ge @!p0 [sflag:s0], s1  }
0xe4: {  	s1 =	ssub.s32 @!p0 $0x0, s1;
	[sflag:s0] =	ssyncset.done @!p0 $0x0  }
0xe5: {  	[sflag:s0] =	ssyncadd.s32 @!p0 s1  }
0xe6: {  	[bflag:$0x3] =	sbarrier.arrive $0xFFFF  }
0xe7: {  	_ =	shalt  }

// kernel: sparse-core-data-format-call.cloned.1.call-start
scs
called_computation_lowered:
.L_overlay_start_0:
0x0: {  	s2 =	sld [smem:$0x3FD9]  }
0x1: {  	s3 =	sld [smem:$0x3FFE];
	_ =	sdelay $0x1  }
0x2: {  	s1 =	srdreg.scid  }
0x3: {  	s0 =	sand.u32 $0x1, s1  }
0x4: {  	s18 =	sshll.u32 s0, $0xA;
	s2 =	sadd.s32 s3, s2  }
0x5: {  	s2 =	sadd.s32 s2, s18  }
0x6: {  	[smem:$0x3FC6] =	sst s2  }
0x7: {  	_ = 	snop  }
0x8: {  	s2 =	sld [smem:$0x3FD0];
	(tm) =	ssettm $0x1  }
0x9: {  	s19 =	sld [smem:$0x3FFB];
	_ =	sdelay $0x3  }
0xa: {  	_ =	strace s19  }
0xb: {  	s3 =	sld [smem:$0x3FFC];
	_ =	sdelay $0x3  }
0xc: {  	_ =	strace s3  }
0xd: {  	s3 =	sld [smem:$0x3FFD];
	_ =	sdelay $0x3  }
0xe: {  	_ =	strace s3  }
0xf: {  	_ =	strace $0x8FFFFFFF  }
0x10: {  	s20 =	sld [smem:$0x3FDB];
	_ =	sdelay $0x1  }
0x11: {  	s4 =	simm.s32 $_scs_section_size  }
0x12: {  	s5 =	simm.s32 $_size__tile_overlayer_lowered;
	s6 =	simm.s32 $_tile_overlayer_lowered  }
0x13: {  	s23 =	simm.s32 $0x1BFF;
	s22 =	sshll.u32 s6, $0x1;
	s3 =	sadd.s32 s4, s20  }
0x14: {  	s7 =	simm.s32 $0x0;
	s21 =	sshll.u32 s5, $0x1;
	s5 =	sadd.s32 s22, s3  }
0x15: {  	[timem:s7], [sflag:s23] =	dma.local [hbm:s5], s21  }
0x16: {  	_ =	swait.ge [sflag:s23], s21  }
0x17: {  	s4 =	ssub.s32 $0x0, s21;
	[sflag:s23] =	ssyncset.done $0x0  }
0x18: {  	[sflag:s23] =	ssyncadd.s32 s4;
	_ =	sdelay $0x1  }
0x19: {  	s24 =	simm.s32 $0x1B8B  }
0x1a: {  	_ =	swait.ge [sflag:s24], $0x1  }
0x1b: {  	[sflag:s24] =	ssyncset.done $0x0  }
0x1c: {  	s26 =	simm.s32 $0x1B8E;
	s25 =	sld [smem:$0x3FFE];
	[sflag:s24] =	ssyncadd.s32 $0xFFFFFFFF  }
0x1d: {  	s27 =	simm.s32 $execute0_lowered;
	[smem:$0x3FD2] =	sst s26  }
0x1e: {  	s5 =	sshll.u32 s27, $0x1;
	_ =	strace $0x80000049;
	[dreg:$0x1] =	wrdreg $0xFFFFFFFF  }
0x1f: {  	s28 =	simm.s32 $_size_execute0_lowered;
	s3 =	sadd.s32 s3, s5;
	[dreg:$0x0] =	wrdreg $0x0  }
0x20: {  	s5 =	sshll.u32 s28, $0x1;
	[dreg:$0x2] =	wrdreg s3  }
0x21: {  	[dreg:$0x3] =	wrdreg s5  }
0x22: {  	[dreg:$0x4] =	wrdreg $0xC0  }
0x23: {  	_ =	task [dreg:s7], $0x5FFFF  }
0x24: {  	[dreg:$0x1] =	wrdreg $0xFFFFFFFF  }
0x25: {  	[dreg:$0x0] =	wrdreg $0x60  }
0x26: {  	[dreg:$0x2] =	wrdreg s25  }
0x27: {  	[dreg:$0x3] =	wrdreg s2  }
0x28: {  	[dreg:$0x4] =	wrdreg $0x9  }
0x29: {  	_ =	task.clear_ibuf [dreg:s7], $0x5FFFF;
	_ =	strace $0x90000049  }
0x2a: {  	s29 =	simm.s32 $0x9;
	_ =	strace $0x8000004B  }
0x2b: {  	_ =	swait.ge [sflag:s29], $0x1  }
0x2c: {  	[sflag:s29] =	ssyncadd.s32 $0xFFFFFFFF  }
0x2d: {  	_ =	strace $0x9000004B  }
0x2e: {  	_ =	sfence  }
0x2f: {  	s30 =	sld [smem:$0x0];
	_ =	sdelay $0x2  }
0x30: {  	s31 =	sshll.u32 s1, $0xD;
	s1 =	sshrl.u32 s1, $0x2  }
0x31: {  	s3 =	sand.u32 $0x4000, s31;
	s1 =	sadd.s32 s1, s30  }
0x32: {  	s0 =	sor.u32 s3, s0;
	s1 =	sshll.u32 s1, $0x11  }
0x33: {  	s0 =	sor.u32 s1, s0  }
0x34: {  	s0 =	sadd.s32 $0x8F2B, s0  }
0x35: {  	[sflag:s0] =	ssyncadd.remote.s32 $0x1  }
0x36: {  	_ =	sfence.sel $0xFFFF  }
0x37: {  	[dreg:$0x0] =	wrdreg $0xFFFFFFFF;
	(pc) =	sbr.abs _section_cstart, $3  }
0x38: {  	[dreg:$0x1] =	wrdreg $0xFFFFFFFF  }
0x39: {  	_ =	task.clear_ibuf [dreg:s7], $0x2FFFF;
	_ =	strace $0x9FFFFFFF  }
0x3a: {  	(tm) =	ssettm $0x7FFFFFFF  }
0x3b: {  	_ =	shalt  }
tec
execute0_lowered:
.L_overlay_start_1:
0x0: {  	(tag) =	ssettag $0x1  }
0x1: {  	s0 =	srdreg.scid  }
0x2: {  	s1 =	sshll.u32 s0, $0x4  }
0x3: {  	s4 =	rddreg [dreg:$0x0];
	s0 =	stileid.u32;
	s1 =	sand.u32 $0x10, s1  }
0x4: {  	s2 =	rddreg [dreg:$0x1];
	s7 =	simm.s32 $0x1;
	s1 =	sor.u32 s0, s1  }
0x5: {  	s8 =	simm.s32 $0x2;
	s11 =	simm.s32 $0x0;
	s3 =	sshll.u32 s1, $0x7  }
0x6: {  	s10 =	simm.s32 $0x0;
	s4 =	sadd.s32 $0x800, s4;
	s6 =	ssub.s32 $0x50000, s3  }
.Ltmp0:
0x7: {  	s1 =	rddreg [dreg:$0x2];
	s5 =	sand.u32 $0xF80, s6;
	(pc) =	sbr.rel .LBB1_1-.Ltmp0, $4  }
0x8: {  	_ =	strace $0x8000004A;
	s9 =	smov.u32 s3;
	p0 =	sne.s32 s5, $0x0  }
0x9: {  	s6 =	sshrl.u32 s6, $0xC;
	s5 =	simm.s32 $0x1;
	s7 =	simm.s32 @!p0 $0x0  }
0xa: {  	[sflag:s5] =	ssyncpa.u1 $0x0;
	p0 =	por $0x0, $0x0;
	s6 =	sadd.s32 s7, s6  }
0xb: {  	[sflag:s8] =	ssyncpa.u1 $0x0;
	s8 =	simm.s32 $0x280000;
	s7 =	sadd.s32 $0x1, s6  }
.LBB1_4:
0xc: {  	s14 =	sshll.u32 s11, $0x3  }
0xd: {  	s30 =	sand.u32 $0x7F, s11;
	s15 =	sand.u32 $0xFFFFFC00, s14  }
0xe: {  	s11 =	sor.u32 s30, s15  }
0xf: {  	s15 =	smulhi.u32 $0xCCCCCCCD, s11  }
0x10: {  	s14 =	smulhi.u32 $0xCCCCCCCD, s14  }
0x11: {  	s15 =	sshrl.u32 s15, $0x12  }
0x12: {  	s14 =	sshrl.u32 s14, $0x12;
	s15 =	smul.u32 $0x50000, s15  }
0x13: {  	s14 =	sand.u32 $0x1F, s14  }
0x14: {  	s14 =	smul.u32 $0xA000, s14;
	s11 =	ssub.s32 s11, s15  }
0x15: {  	s15 =	sand.u32 $0x7, s11  }
0x16: {  	s14 =	sadd.s32 s2, s14;
	s11 =	sshrl.u32 s11, $0x3;
	s15 =	sshll.u32 s15, $0x12  }
0x17: {  	[tilespmem:s13+$0x0 ss:$0x81] =	vst.msk $0xffff, v0;
	s11 =	sadd.s32 s11, s14;
	s31 =	sor.u32 $0x400, s15  }
0x18: {  	[hbm4b:s11+s31] =	stream.strided.scatter [tilespmem:s12], [sflag:$0x2], $0x1000, s8, s31, $0x20;
	[tilespmem:$0x4040] =	vst v63  }
.LBB1_5:
0x19: {  	s13 =	sadd.s32 $0x1000, s9  }
0x1a: {  	p2 =	sgt.s32 s13, $0x4FFFF  }
0x1b: {  	s13 =	smov.u32 @p2 s3;
	p2 =	sne.s32 s10, s7  }
.Ltmp1:
0x1c: {  	p1 =	slt.u32 s10, $0x2;
	(pc) =	sbr.rel @!p2 .LBB1_6-.Ltmp1, $4  }
0x1d: {  	s12 =	simm.s32 @!p1 $0x2  }
0x1e: {  	s14 =	sadd.s32 $0x1, s10;
	_ =	swait.ge @!p1 [sflag:s12], $0x1000  }
0x1f: {  	s11 =	smov.u32 s9;
	p0 =	por !p0, !p0;
	[sflag:s12] =	ssyncset.done @!p1 $0x0  }
0x20: {  	s10 =	smov.u32 s14;
	s9 =	smov.u32 s13;
	[sflag:s12] =	ssyncadd.s32 @!p1 $0xFFFFF000  }
.LBB1_1:
0x21: {  	p1 =	sge.u32 s10, s6  }
0x22: {  	s12 =	sand.u32 @!p1 $0x1FFFFFF, s9  }
0x23: {  	s13 =	smulhi.u32 @!p1 $0xCCCCCD, s12;
	_ =	sdelay $0x1  }
0x24: {  	s13 =	sshrl.u32 @!p1 s13, $0xA  }
0x25: {  	s13 =	smul.u32 @!p1 $0x50000, s13;
	_ =	sdelay $0x1  }
0x26: {  	s31 =	sadd.s32 $0xFFFFFFFF, s10;
	s14 =	sxor.u32 @!p1 $0xFFFFFFFF, s10;
	s12 =	ssub.s32 @!p1 s12, s13  }
0x27: {  	s15 =	simm.s32 @!p1 $0x80;
	s14 =	sshll.u32 @!p1 s14, $0xC;
	s12 =	sshll.u32 @!p1 s12, $0x4  }
0x28: {  	s13 =	sand.u32 @!p1 $0x1000, s14;
	s14 =	simm.s32 @!p1 $0x20;
	s12 =	sadd.s32 @!p1 s4, s12  }
0x29: {  	[tilespmem:s13], [sflag:$0x1] =	stream.strided.gather @!p1 [hbm4b:s12+s14], $0x1000, s15, s14, $0x38;
	[tilespmem:$0x4040] =	vst v63  }
0x2a: {  	p1 =	sge.u32 s31, s6  }
.Ltmp2:
0x2b: {  	_ = 	snop;
	(pc) =	sbr.rel @p1 .LBB1_5-.Ltmp2, $1  }
0x2c: {  	_ =	sdelay $0x3  }
0x2d: {  	s12 =	simm.s32 $0x1  }
0x2e: {  	_ =	swait.ge [sflag:s5], $0x1000;
	s12 =	simm.s32 @!p0 $0x0  }
0x2f: {  	[sflag:s5] =	ssyncset.done $0x0;
	s13 =	sshll.u32 s12, $0xC  }
0x30: {  	[sflag:s5] =	ssyncadd.s32 $0xFFFFF000;
	s16 =	sor.u32 $0x10, s13  }
0x31: {  	s12 =	smul.u32 $0x4080, s12;
	v1 =	vld [tilespmem:s16+$0x0]  }
0x32: {  	s30 =	sand.u32 $0x1, s10;
	v0 =	vld [tilespmem:s16+$0xFFFFFFF0]  }
0x33: {  	s13 =	smul.u32 $0x4080, s30;
	s12 =	sshrl.u32 s12, $0x2  }
0x34: {  	s14 =	sor.u32 $0x2000, s12  }
0x35: {  	s31 =	sshrl.u32 s13, $0x2;
	s13 =	sadd.s32 $0x0, s14  }
0x36: {  	s15 =	simm.s32 $0x4;
	s16 =	sadd.s32 $0x20, s16;
	s12 =	sor.u32 $0x2000, s31;
	[tilespmem:s13+$0x810 ss:$0x81] =	vst.msk $0xffff, v1  }
.LBB1_3:
0x37: {  	v1 =	vld [tilespmem:s16+$0x0];
	p1 =	sne.s32 s15, $0x1FC;
	[tilespmem:s13+$0x0 ss:$0x81] =	vst.msk $0xffff, v0;
	s13 =	smov.u32 s15;
	s15 =	sadd.s32 $0x4, s15  }
.Ltmp3:
0x38: {  	v0 =	vld [tilespmem:s16+$0xFFFFFFF0];
	(pc) =	sbr.rel @p1 .LBB1_3-.Ltmp3, $4  }
0x39: {  	_ = 	snop  }
0x3a: {  	s13 =	sshra.s32 s13, $0x2  }
0x3b: {  	s13 =	sadd.s32 s13, s14  }
0x3c: {  	s16 =	sadd.s32 $0x20, s16;
	[tilespmem:s13+$0x810 ss:$0x81] =	vst.msk $0xffff, v1  }
.Ltmp4:
0x3d: {  	_ = 	snop;
	(pc) =	sbr.rel .LBB1_4-.Ltmp4, $1  }
0x3e: {  	_ =	sdelay $0x3  }
.LBB1_6:
0x3f: {  	_ =	sfence.sel $0x180000  }
0x40: {  	s2 =	simm.s32 $0x1;
	[bflag:$0x0] =	sbarrier.arrive $0xFFFF  }
0x41: {  	s31 =	simm.s32 $0x2;
	[sflag:s2] =	ssyncpa.u1 $0x1  }
0x42: {  	[sflag:s31] =	ssyncpa.u1 $0x1  }
0x43: {  	p0 =	sne.s32 s0, $0x0;
	_ =	strace $0x9000004A  }
0x44: {  	s0 =	sadd.s32 @!p0 $0x100000, s1;
	[bflag:$0x2] =	sbarrier.arrive $0xFFFF  }
0x45: {  	[sflag:s0] =	ssyncadd.tile.s32 @!p0 $0x1;
	_ =	shalt  }
.Lfunc_end1:
_tile_overlayer_lowered:
.L_overlay_start_2:
0x46: {  	(tag) =	ssettag $0x2  }
0x47: {  	s0 =	rddreg [dreg:$0x0];
	s2 =	stileid.u32  }
0x48: {  	s1 =	rddreg [dreg:$0x1];
	p0 =	sne.s32 s2, $0x0  }
0x49: {  	s3 =	rddreg [dreg:$0x2];
	[bflag:$0x3] =	sbarrier.arrive $0xFFFF;
	s2 =	simm.s32 @!p0 $0x1C01  }
0x4a: {  	[timem:s3], [sflag:s2] =	dma.local @!p0 [hbm:s0], s1  }
0x4b: {  	s0 =	simm.s32 @!p0 $0x1  }
0x4c: {  	_ =	swait.ge @!p0 [sflag:s0], s1  }
0x4d: {  	s1 =	ssub.s32 @!p0 $0x0, s1;
	[sflag:s0] =	ssyncset.done @!p0 $0x0  }
0x4e: {  	[sflag:s0] =	ssyncadd.s32 @!p0 s1  }
0x4f: {  	[bflag:$0x3] =	sbarrier.arrive $0xFFFF  }
0x50: {  	_ =	shalt  }

</sc_bundles>
